<compile_context>
chip_gen: v7x
topology: tpu7x:2x2x1
jax: 0.10.2.dev20260603
libtpu: 0.0.44.dev20260713+nightly
codegen_flags: <defaults>
</compile_context>

<pallas_src>
import functools

import jax
import jax.numpy as jnp
from jax import lax
from jax.experimental import pallas as pl
from jax.experimental.pallas import tpu as pltpu
from jax.experimental.pallas import tpu_sc as plsc

_TOP_K = 1
_CAP_FACTOR = 1.25
_BLK = 512


def _router_body(noisy_ref, sidx_ref, gidx_ref, run_ref, *, cap, slots, E, trash):
    i = pl.program_id(0)

    @pl.when(i == 0)
    def _():
        run_ref[...] = jnp.zeros_like(run_ref)

    nb = noisy_ref[...]
    blk = nb.shape[0]
    m = jnp.max(nb, axis=1, keepdims=True)
    lane = lax.broadcasted_iota(jnp.int32, (blk, E), 1)
    eidx = jnp.min(jnp.where(nb == m, lane, E), axis=1, keepdims=True)
    onehot = (lane == eidx).astype(jnp.float32)
    r = lax.broadcasted_iota(jnp.int32, (blk, blk), 0)
    c = lax.broadcasted_iota(jnp.int32, (blk, blk), 1)
    ltri = (r >= c).astype(jnp.float32)
    incl = jnp.dot(ltri, onehot, preferred_element_type=jnp.float32)
    run = run_ref[0:1, :]
    pos = jnp.sum((incl + run - 1.0) * onehot, axis=1, keepdims=True).astype(jnp.int32)
    run_ref[0:1, :] = run + jnp.sum(onehot, axis=0, keepdims=True)
    base = eidx * slots
    sidx_ref[...] = jnp.where(pos < cap, base + pos, trash)
    gidx_ref[...] = base + jnp.minimum(pos, cap)


def _ffn_body(x_ref, w1_ref, w2_ref, out_ref, *, cap):
    h = pl.program_id(1)
    xb = x_ref[...]
    row = lax.broadcasted_iota(jnp.int32, (xb.shape[0], 1), 0)
    xb = jnp.where(row < cap, xb, 0.0)
    a = jnp.dot(xb, w1_ref[0], preferred_element_type=jnp.float32)
    s = a * jax.nn.sigmoid(a)
    contrib = jnp.dot(s, w2_ref[0], preferred_element_type=jnp.float32)

    @pl.when(h == 0)
    def _():
        out_ref[...] = jnp.zeros_like(out_ref)

    out_ref[...] += contrib


def kernel(x, Wr, Wn, W1, W2, noise):
    Bv, Tv, C = x.shape
    E = Wr.shape[1]
    H = W1.shape[2]
    N = Bv * Tv
    cap = int(N * _TOP_K / E * _CAP_FACTOR)
    slots = cap + 8
    trash = E * slots
    nrows = trash + 8

    logits = x @ Wr
    noise_logits = x @ Wn
    noisy = (logits + noise * jax.nn.softplus(noise_logits)).reshape(N, E)

    sidx, gidx = pl.pallas_call(
        functools.partial(_router_body, cap=cap, slots=slots, E=E, trash=trash),
        grid=(N // _BLK,),
        in_specs=[pl.BlockSpec((_BLK, E), lambda i: (i, 0))],
        out_specs=[
            pl.BlockSpec((_BLK, 1), lambda i: (i, 0)),
            pl.BlockSpec((_BLK, 1), lambda i: (i, 0)),
        ],
        out_shape=[jax.ShapeDtypeStruct((N, 1), jnp.int32)] * 2,
        scratch_shapes=[pltpu.VMEM((8, E), jnp.float32)],
    )(noisy)
    sidx = sidx.reshape(N)
    gidx = gidx.reshape(N)

    xf = x.reshape(N, C)
    info = plsc.get_sparse_core_info()
    NW = info.num_cores * info.num_subcores
    tpw = N // NW
    mesh = plsc.VectorSubcoreMesh(core_axis_name="c", subcore_axis_name="s")

    @functools.partial(
        pl.kernel,
        mesh=mesh,
        out_type=jax.ShapeDtypeStruct((nrows, C), jnp.float32),
        scratch_types=[
            pltpu.VMEM((tpw,), jnp.int32),
            pltpu.VMEM((tpw, C), jnp.float32),
            pltpu.SemaphoreType.DMA,
            pltpu.SemaphoreType.DMA,
        ],
    )
    def _dispatch(x_hbm, sidx_hbm, disp_hbm, idx_v, rows_v, sem, sem2):
        wid = lax.axis_index("s") * info.num_cores + lax.axis_index("c")
        base = wid * tpw
        cp_i = pltpu.async_copy(sidx_hbm.at[pl.ds(base, tpw)], idx_v, sem)
        cp_r = pltpu.async_copy(x_hbm.at[pl.ds(base, tpw)], rows_v, sem2)
        cp_i.wait()
        cp_r.wait()
        pltpu.async_copy(rows_v, disp_hbm.at[idx_v], sem).wait()

    disp = _dispatch(xf, sidx)

    nh = 3
    HB = H // nh
    eflat = pl.pallas_call(
        functools.partial(_ffn_body, cap=cap),
        grid=(E, nh),
        in_specs=[
            pl.BlockSpec((slots, C), lambda e, h: (e, 0)),
            pl.BlockSpec((1, C, HB), lambda e, h: (e, 0, h)),
            pl.BlockSpec((1, HB, C), lambda e, h: (e, h, 0)),
        ],
        out_specs=pl.BlockSpec((slots, C), lambda e, h: (e, 0)),
        out_shape=jax.ShapeDtypeStruct((E * slots, C), jnp.float32),
        compiler_params=pltpu.CompilerParams(
            dimension_semantics=("parallel", "arbitrary"),
        ),
    )(disp, W1, W2)

    @functools.partial(
        pl.kernel,
        mesh=mesh,
        out_type=jax.ShapeDtypeStruct((N, C), jnp.float32),
        scratch_types=[
            pltpu.VMEM((tpw,), jnp.int32),
            pltpu.VMEM((tpw, C), jnp.float32),
            pltpu.SemaphoreType.DMA,
        ],
    )
    def _combine(eo_hbm, gidx_hbm, y_hbm, idx_v, rows_v, sem):
        wid = lax.axis_index("s") * info.num_cores + lax.axis_index("c")
        base = wid * tpw
        pltpu.sync_copy(gidx_hbm.at[pl.ds(base, tpw)], idx_v)
        pltpu.async_copy(eo_hbm.at[idx_v], rows_v, sem).wait()
        pltpu.sync_copy(rows_v, y_hbm.at[pl.ds(base, tpw)])

    y = _combine(eflat, gidx)
    return y.reshape(Bv, Tv, C)

# --- scband reference (transcript-rebuilt; emitter-appended) ---
"""Pipeline reference for scband-sparse-mo-e-70205535420533 (READ-ONLY COPY).

The authoritative reference and input builder live on the scoring server;
editing this copy changes nothing except your own understanding.
"""

import jax, jax.numpy as jnp
import numpy as np

B, T, C = 1, 2048, 768
E = 64
TOP_K = 1
CAP_FACTOR = 1.25
H = 4 * C


def setup_inputs(seed: int = 0):
    key = jax.random.key(seed)
    k = jax.random.split(key, 6)
    x = jax.random.normal(k[0], (B, T, C), jnp.float32)
    Wr = jax.random.normal(k[1], (C, E), jnp.float32) * 0.02
    Wn = jax.random.normal(k[2], (C, E), jnp.float32) * 0.02
    W1 = jax.random.normal(k[3], (E, C, H), jnp.float32) * 0.02
    W2 = jax.random.normal(k[4], (E, H, C), jnp.float32) * 0.02
    noise = jax.random.normal(k[5], (B, T, E), jnp.float32)
    return {"x": x, "Wr": Wr, "Wn": Wn, "W1": W1, "W2": W2, "noise": noise}


def _moe_forward(x, Wr, Wn, W1, W2, noise):
    Bv, Tv, Cv = x.shape
    Ev = Wr.shape[1]
    N = Bv * Tv
    cap = int(N * TOP_K / Ev * CAP_FACTOR)
    # NoisyTopkRouter
    logits = x @ Wr
    noise_logits = x @ Wn
    noisy = logits + noise * jax.nn.softplus(noise_logits)
    top_vals, indices = jax.lax.top_k(noisy, TOP_K)  # (B,T,k)
    sel_mask = jnp.any(indices[..., None] == jnp.arange(Ev)[None, None, None, :], axis=-2)  # (B,T,E)
    sparse_logits = jnp.where(sel_mask, noisy, -jnp.inf)
    gating = jax.nn.softmax(sparse_logits, axis=-1)  # (B,T,E)
    flat_x = x.reshape(N, Cv)
    flat_g = gating.reshape(N, Ev)
    flat_idx = indices.reshape(N, TOP_K)
    updates = jnp.zeros_like(flat_x)

    def _expert_step(updates, xs):
        i, W1i, W2i = xs
        em = jnp.any(flat_idx == i, axis=-1)  # (N,)
        pos = jnp.cumsum(em.astype(jnp.int32)) - 1
        keep = em & (pos < cap)  # first `cap` tokens routed to expert i, in order
        sel = jnp.nonzero(keep, size=cap, fill_value=N)[0]
        valid = (sel < N).astype(flat_x.dtype)
        sel_c = jnp.where(sel < N, sel, 0)
        inp = flat_x[sel_c]  # gather (cap, C)
        h = jax.nn.silu(inp @ W1i) @ W2i  # Expert FFN: Linear->SiLU->Linear
        scores = flat_g[sel_c, i] * valid
        updates = updates.at[sel_c].add(h * scores[:, None])  # scatter-add
        return updates, None

    updates, _ = jax.lax.scan(_expert_step, updates, (jnp.arange(Ev), W1, W2))
    # dropout p=0.0 -> identity
    return updates.reshape(Bv, Tv, Cv)


def reference(x, Wr, Wn, W1, W2, noise):
    return _moe_forward(x, Wr, Wn, W1, W2, noise)

if __name__ == "__main__":
    import jax
    _d = setup_inputs()
    print(jax.jit(kernel)(*tuple(_d.values())))

</pallas_src>

<mosaic_0001>
#map = affine_map<(d0, d1) -> (0, 0)>
#map1 = affine_map<(d0, d1) -> (0)>
module attributes {stable_mosaic.version = 14 : i64} {
  func.func @_dispatch(%arg0: i32, %arg1: i32, %arg2: memref<2048x768xf32, #tpu.memory_space<hbm>>, %arg3: memref<2048xi32, #tpu.memory_space<hbm>>, %arg4: memref<3080x768xf32, #tpu.memory_space<hbm>>, %arg5: memref<64xi32, #tpu.memory_space<vmem>>, %arg6: memref<64x768xf32, #tpu.memory_space<vmem>>, %arg7: memref<!tpu.dma_semaphore, #tpu.memory_space<semaphore_mem>>, %arg8: memref<!tpu.dma_semaphore, #tpu.memory_space<semaphore_mem>>) attributes {dimension_semantics = [#tpu.dimension_semantics<core_parallel>, #tpu.dimension_semantics<subcore_parallel>], iteration_bounds = array<i64: 2, 16>, scalar_prefetch = 0 : i64, scratch_operands = 4 : i64, tpu.core_type = #tpu.core_type<sc_vector_subcore>, window_params = [{transform_indices = #map}, {transform_indices = #map1}, {transform_indices = #map}]} {
    %mul3A = arith.constant 2 : i32
    %mul3A_0 = arith.muli %arg1, %mul3A : i32
    %add3A = arith.addi %mul3A_0, %arg0 : i32
    %mul3A_1 = arith.constant 64 : i32
    %mul3A_2 = arith.muli %add3A, %mul3A_1 : i32
    %dma_start3A = tpu.memref_slice %arg3[%mul3A_2] : memref<2048xi32, #tpu.memory_space<hbm>> -> memref<64xi32, #tpu.memory_space<hbm>>
    %dma_start3A_3 = tpu.memref_slice %arg3[%mul3A_2] : memref<2048xi32, #tpu.memory_space<hbm>> -> memref<64xi32, #tpu.memory_space<hbm>>
    tpu.enqueue_dma source(%dma_start3A_3 : memref<64xi32, #tpu.memory_space<hbm>>) target(%arg5 : memref<64xi32, #tpu.memory_space<vmem>>) target_semaphore(%arg7 : memref<!tpu.dma_semaphore, #tpu.memory_space<semaphore_mem>>)
    %dma_start3A_4 = arith.constant 0 : i32
    %dma_start3A_5 = tpu.memref_slice %arg2[%mul3A_2, %dma_start3A_4] : memref<2048x768xf32, #tpu.memory_space<hbm>> -> memref<64x768xf32, #tpu.memory_space<hbm>>
    %dma_start3A_6 = arith.constant 0 : i32
    %dma_start3A_7 = tpu.memref_slice %arg2[%mul3A_2, %dma_start3A_6] : memref<2048x768xf32, #tpu.memory_space<hbm>> -> memref<64x768xf32, #tpu.memory_space<hbm>>
    tpu.enqueue_dma source(%dma_start3A_7 : memref<64x768xf32, #tpu.memory_space<hbm>>) target(%arg6 : memref<64x768xf32, #tpu.memory_space<vmem>>) target_semaphore(%arg8 : memref<!tpu.dma_semaphore, #tpu.memory_space<semaphore_mem>>)
    %dma_wait3A = tpu.memref_slice %arg3[%mul3A_2] : memref<2048xi32, #tpu.memory_space<hbm>> -> memref<64xi32, #tpu.memory_space<hbm>>
    %dma_wait3A_8 = tpu.memref_slice %arg3[%mul3A_2] : memref<2048xi32, #tpu.memory_space<hbm>> -> memref<64xi32, #tpu.memory_space<hbm>>
    tpu.wait_dma2 semaphore(%arg7 : memref<!tpu.dma_semaphore, #tpu.memory_space<semaphore_mem>>) src(%dma_wait3A_8 : memref<64xi32, #tpu.memory_space<hbm>>) dst(%arg5 : memref<64xi32, #tpu.memory_space<vmem>>)
    %dma_wait3A_9 = arith.constant 0 : i32
    %dma_wait3A_10 = tpu.memref_slice %arg2[%mul3A_2, %dma_wait3A_9] : memref<2048x768xf32, #tpu.memory_space<hbm>> -> memref<64x768xf32, #tpu.memory_space<hbm>>
    %dma_wait3A_11 = arith.constant 0 : i32
    %dma_wait3A_12 = tpu.memref_slice %arg2[%mul3A_2, %dma_wait3A_11] : memref<2048x768xf32, #tpu.memory_space<hbm>> -> memref<64x768xf32, #tpu.memory_space<hbm>>
    tpu.wait_dma2 semaphore(%arg8 : memref<!tpu.dma_semaphore, #tpu.memory_space<semaphore_mem>>) src(%dma_wait3A_12 : memref<64x768xf32, #tpu.memory_space<hbm>>) dst(%arg6 : memref<64x768xf32, #tpu.memory_space<vmem>>)
    %dma_start3A_13 = arith.constant 0 : i32
    %dma_start3A_14 = arith.constant 0 : i32
    %dma_start3A_15 = tpu.memref_slice %arg4[%dma_start3A_13, %dma_start3A_14] : memref<3080x768xf32, #tpu.memory_space<hbm>> -> memref<3080x768xf32, #tpu.memory_space<hbm>>
    tpu.enqueue_indirect_dma source(%arg6 : memref<64x768xf32, #tpu.memory_space<vmem>>) target(%dma_start3A_15 : memref<3080x768xf32, #tpu.memory_space<hbm>>) offsets(%arg5 : memref<64xi32, #tpu.memory_space<vmem>>) semaphore(%arg7 : memref<!tpu.dma_semaphore, #tpu.memory_space<semaphore_mem>>)
    %dma_wait3A_16 = arith.constant 0 : i32
    %dma_wait3A_17 = arith.constant 0 : i32
    %dma_wait3A_18 = tpu.memref_slice %arg4[%dma_wait3A_16, %dma_wait3A_17] : memref<3080x768xf32, #tpu.memory_space<hbm>> -> memref<3080x768xf32, #tpu.memory_space<hbm>>
    tpu.wait_indirect_dma semaphore(%arg7 : memref<!tpu.dma_semaphore, #tpu.memory_space<semaphore_mem>>) src(%arg6 : memref<64x768xf32, #tpu.memory_space<vmem>>) dst(%dma_wait3A_18 : memref<3080x768xf32, #tpu.memory_space<hbm>>)
    return
  }
}

#map = affine_map<(d0, d1) -> (0, 0)>
#map1 = affine_map<(d0, d1) -> (0)>
module attributes {stable_mosaic.version = 14 : i64} {
  func.func @_combine(%arg0: i32, %arg1: i32, %arg2: memref<3072x768xf32, #tpu.memory_space<hbm>>, %arg3: memref<2048xi32, #tpu.memory_space<hbm>>, %arg4: memref<2048x768xf32, #tpu.memory_space<hbm>>, %arg5: memref<64xi32, #tpu.memory_space<vmem>>, %arg6: memref<64x768xf32, #tpu.memory_space<vmem>>, %arg7: memref<!tpu.dma_semaphore, #tpu.memory_space<semaphore_mem>>) attributes {dimension_semantics = [#tpu.dimension_semantics<core_parallel>, #tpu.dimension_semantics<subcore_parallel>], iteration_bounds = array<i64: 2, 16>, scalar_prefetch = 0 : i64, scratch_operands = 3 : i64, tpu.core_type = #tpu.core_type<sc_vector_subcore>, window_params = [{transform_indices = #map}, {transform_indices = #map1}, {transform_indices = #map}]} {
    %mul3A = arith.constant 2 : i32
    %mul3A_0 = arith.muli %arg1, %mul3A : i32
    %add3A = arith.addi %mul3A_0, %arg0 : i32
    %mul3A_1 = arith.constant 64 : i32
    %mul3A_2 = arith.muli %add3A, %mul3A_1 : i32
    "tpu.region"() ({
      %run_scoped3A = tpu.sem_alloc : memref<!tpu.dma_semaphore, #tpu.memory_space<semaphore_mem>>
      %dma_start3A_7 = tpu.memref_slice %arg3[%mul3A_2] : memref<2048xi32, #tpu.memory_space<hbm>> -> memref<64xi32, #tpu.memory_space<hbm>>
      %dma_start3A_8 = tpu.memref_slice %arg3[%mul3A_2] : memref<2048xi32, #tpu.memory_space<hbm>> -> memref<64xi32, #tpu.memory_space<hbm>>
      tpu.enqueue_dma source(%dma_start3A_8 : memref<64xi32, #tpu.memory_space<hbm>>) target(%arg5 : memref<64xi32, #tpu.memory_space<vmem>>) target_semaphore(%run_scoped3A : memref<!tpu.dma_semaphore, #tpu.memory_space<semaphore_mem>>)
      %dma_wait3A_9 = tpu.memref_slice %arg3[%mul3A_2] : memref<2048xi32, #tpu.memory_space<hbm>> -> memref<64xi32, #tpu.memory_space<hbm>>
      %dma_wait3A_10 = tpu.memref_slice %arg3[%mul3A_2] : memref<2048xi32, #tpu.memory_space<hbm>> -> memref<64xi32, #tpu.memory_space<hbm>>
      tpu.wait_dma2 semaphore(%run_scoped3A : memref<!tpu.dma_semaphore, #tpu.memory_space<semaphore_mem>>) src(%dma_wait3A_10 : memref<64xi32, #tpu.memory_space<hbm>>) dst(%arg5 : memref<64xi32, #tpu.memory_space<vmem>>)
      tpu.yield
    }) : () -> ()
    %dma_start3A = arith.constant 0 : i32
    %dma_start3A_3 = arith.constant 0 : i32
    %dma_start3A_4 = tpu.memref_slice %arg2[%dma_start3A, %dma_start3A_3] : memref<3072x768xf32, #tpu.memory_space<hbm>> -> memref<3072x768xf32, #tpu.memory_space<hbm>>
    tpu.enqueue_indirect_dma source(%dma_start3A_4 : memref<3072x768xf32, #tpu.memory_space<hbm>>) target(%arg6 : memref<64x768xf32, #tpu.memory_space<vmem>>) offsets(%arg5 : memref<64xi32, #tpu.memory_space<vmem>>) semaphore(%arg7 : memref<!tpu.dma_semaphore, #tpu.memory_space<semaphore_mem>>)
    %dma_wait3A = arith.constant 0 : i32
    %dma_wait3A_5 = arith.constant 0 : i32
    %dma_wait3A_6 = tpu.memref_slice %arg2[%dma_wait3A, %dma_wait3A_5] : memref<3072x768xf32, #tpu.memory_space<hbm>> -> memref<3072x768xf32, #tpu.memory_space<hbm>>
    tpu.wait_indirect_dma semaphore(%arg7 : memref<!tpu.dma_semaphore, #tpu.memory_space<semaphore_mem>>) src(%dma_wait3A_6 : memref<3072x768xf32, #tpu.memory_space<hbm>>) dst(%arg6 : memref<64x768xf32, #tpu.memory_space<vmem>>)
    "tpu.region"() ({
      %run_scoped3A = tpu.sem_alloc : memref<!tpu.dma_semaphore, #tpu.memory_space<semaphore_mem>>
      %dma_start3A_7 = arith.constant 0 : i32
      %dma_start3A_8 = tpu.memref_slice %arg4[%mul3A_2, %dma_start3A_7] : memref<2048x768xf32, #tpu.memory_space<hbm>> -> memref<64x768xf32, #tpu.memory_space<hbm>>
      %dma_start3A_9 = arith.constant 0 : i32
      %dma_start3A_10 = tpu.memref_slice %arg4[%mul3A_2, %dma_start3A_9] : memref<2048x768xf32, #tpu.memory_space<hbm>> -> memref<64x768xf32, #tpu.memory_space<hbm>>
      tpu.enqueue_dma source(%arg6 : memref<64x768xf32, #tpu.memory_space<vmem>>) target(%dma_start3A_10 : memref<64x768xf32, #tpu.memory_space<hbm>>) target_semaphore(%run_scoped3A : memref<!tpu.dma_semaphore, #tpu.memory_space<semaphore_mem>>)
      %dma_wait3A_11 = arith.constant 0 : i32
      %dma_wait3A_12 = tpu.memref_slice %arg4[%mul3A_2, %dma_wait3A_11] : memref<2048x768xf32, #tpu.memory_space<hbm>> -> memref<64x768xf32, #tpu.memory_space<hbm>>
      %dma_wait3A_13 = arith.constant 0 : i32
      %dma_wait3A_14 = tpu.memref_slice %arg4[%mul3A_2, %dma_wait3A_13] : memref<2048x768xf32, #tpu.memory_space<hbm>> -> memref<64x768xf32, #tpu.memory_space<hbm>>
      tpu.wait_dma2 semaphore(%run_scoped3A : memref<!tpu.dma_semaphore, #tpu.memory_space<semaphore_mem>>) src(%arg6 : memref<64x768xf32, #tpu.memory_space<vmem>>) dst(%dma_wait3A_14 : memref<64x768xf32, #tpu.memory_space<hbm>>)
      tpu.yield
    }) : () -> ()
    return
  }
}

module attributes {stable_mosaic.version = 14 : i64} {
  func.func @_router_body(%arg0: i32, %arg1: memref<512x64xf32, #tpu.memory_space<vmem>>, %arg2: memref<512x1xi32, #tpu.memory_space<vmem>>, %arg3: memref<512x1xi32, #tpu.memory_space<vmem>>, %arg4: memref<8x64xf32, #tpu.memory_space<vmem>>) attributes {dimension_semantics = [#tpu.dimension_semantics<arbitrary>], iteration_bounds = array<i64: 4>, scalar_prefetch = 0 : i64, scratch_operands = 1 : i64, tpu.core_type = #tpu.core_type<tc>, window_params = [{transform_indices = @transform_0, window_bounds = array<i64: 512, 64>}, {transform_indices = @transform_1, window_bounds = array<i64: 512, 1>}, {transform_indices = @transform_2, window_bounds = array<i64: 512, 1>}]} {
    %eq3A = arith.constant 0 : i32
    %eq3A_0 = arith.cmpi eq, %arg0, %eq3A : i32
    %convert_element_type3A = arith.extui %eq3A_0 : i1 to i32
    %cond3A = arith.constant 0 : i32
    %cond3A_1 = arith.cmpi ne, %convert_element_type3A, %cond3A : i32
    scf.if %cond3A_1 {
      %broadcast_in_dim3A_52 = arith.constant 0.000000e+00 : f32
      %broadcast_in_dim3A_53 = vector.broadcast %broadcast_in_dim3A_52 : f32 to vector<8x64xf32>
      %swap3A_54 = arith.constant 0 : index
      %swap3A_55 = arith.constant 0 : index
      %swap3A_56 = vector.load %arg4[%swap3A_54, %swap3A_55] : memref<8x64xf32, #tpu.memory_space<vmem>>, vector<8x64xf32>
      tpu.vector_store %arg4[%swap3A_54, %swap3A_55], %broadcast_in_dim3A_53 {strides = array<i32>} : memref<8x64xf32, #tpu.memory_space<vmem>>, vector<8x64xf32>,
    } else {
    }
    %get3A = arith.constant 0 : index
    %get3A_2 = arith.constant 0 : index
    %get3A_3 = vector.load %arg1[%get3A, %get3A_2] : memref<512x64xf32, #tpu.memory_space<vmem>>, vector<512x64xf32>
    %reduce_max3A = arith.constant dense<0xFF800000> : vector<512xf32>
    %reduce_max3A_4 = vector.multi_reduction <maximumf>, %get3A_3, %reduce_max3A [1] : vector<512x64xf32> to vector<512xf32>
    %broadcast_in_dim3A = vector.shape_cast %reduce_max3A_4 : vector<512xf32> to vector<512x1xf32>
    %iota3A = tpu.iota {dimensions = array<i32: 1>} : vector<512x64xi32>
    %eq3A_5 = vector.broadcast %broadcast_in_dim3A : vector<512x1xf32> to vector<512x64xf32>
    %eq3A_6 = arith.cmpf oeq, %get3A_3, %eq3A_5 : vector<512x64xf32>
    %jit3A = arith.constant 64 : i32
    %broadcast_in_dim3A_7 = vector.broadcast %jit3A : i32 to vector<512x64xi32>
    %select_n3A = arith.select %eq3A_6, %iota3A, %broadcast_in_dim3A_7 : vector<512x64xi1>, vector<512x64xi32>
    %reduce_min3A = arith.constant dense<2147483647> : vector<512xi32>
    %reduce_min3A_8 = vector.multi_reduction <minsi>, %select_n3A, %reduce_min3A [1] : vector<512x64xi32> to vector<512xi32>
    %broadcast_in_dim3A_9 = vector.shape_cast %reduce_min3A_8 : vector<512xi32> to vector<512x1xi32>
    %eq3A_10 = vector.broadcast %broadcast_in_dim3A_9 : vector<512x1xi32> to vector<512x64xi32>
    %eq3A_11 = arith.cmpi eq, %iota3A, %eq3A_10 : vector<512x64xi32>
    %convert_element_type3A_12 = arith.extui %eq3A_11 : vector<512x64xi1> to vector<512x64xi32>
    %convert_element_type3A_13 = arith.sitofp %convert_element_type3A_12 : vector<512x64xi32> to vector<512x64xf32>
    %iota3A_14 = tpu.iota {dimensions = array<i32: 0>} : vector<512x512xi32>
    %iota3A_15 = tpu.iota {dimensions = array<i32: 1>} : vector<512x512xi32>
    %ge3A = arith.cmpi sge, %iota3A_14, %iota3A_15 : vector<512x512xi32>
    %convert_element_type3A_16 = arith.extui %ge3A : vector<512x512xi1> to vector<512x512xi32>
    %convert_element_type3A_17 = arith.sitofp %convert_element_type3A_16 : vector<512x512xi32> to vector<512x512xf32>
    %dot_general3A = arith.constant dense<0.000000e+00> : vector<512x64xf32>
    %dot_general3A_18 = tpu.matmul %convert_element_type3A_17, %convert_element_type3A_13, %dot_general3A {dimension_numbers = #tpu.dot_dimension_numbers<[1], [0], [0], [1], [0, 0, 1, 1], [], []>, transpose_lhs_hint = false} : vector<512x512xf32>, vector<512x64xf32>, vector<512x64xf32> -> vector<512x64xf32>
    %get3A_19 = arith.constant 0 : index
    %get3A_20 = arith.constant 0 : index
    %get3A_21 = vector.load %arg4[%get3A_19, %get3A_20] : memref<8x64xf32, #tpu.memory_space<vmem>>, vector<1x64xf32>
    %add3A = vector.broadcast %get3A_21 : vector<1x64xf32> to vector<512x64xf32>
    %add3A_22 = arith.addf %dot_general3A_18, %add3A : vector<512x64xf32>
    %sub3A = arith.constant 1.000000e+00 : f32
    %sub3A_23 = vector.broadcast %sub3A : f32 to vector<512x64xf32>
    %sub3A_24 = arith.subf %add3A_22, %sub3A_23 : vector<512x64xf32>
    %mul3A = arith.mulf %sub3A_24, %convert_element_type3A_13 : vector<512x64xf32>
    %reduce_sum3A = arith.constant dense<0.000000e+00> : vector<512xf32>
    %reduce_sum3A_25 = vector.multi_reduction <add>, %mul3A, %reduce_sum3A [1] : vector<512x64xf32> to vector<512xf32>
    %broadcast_in_dim3A_26 = vector.shape_cast %reduce_sum3A_25 : vector<512xf32> to vector<512x1xf32>
    %convert_element_type3A_27 = arith.fptosi %broadcast_in_dim3A_26 : vector<512x1xf32> to vector<512x1xi32>
    %reduce_sum3A_28 = arith.constant dense<0.000000e+00> : vector<64xf32>
    %reduce_sum3A_29 = vector.multi_reduction <add>, %convert_element_type3A_13, %reduce_sum3A_28 [0] : vector<512x64xf32> to vector<64xf32>
    %broadcast_in_dim3A_30 = vector.shape_cast %reduce_sum3A_29 : vector<64xf32> to vector<1x64xf32>
    %add3A_31 = arith.addf %get3A_21, %broadcast_in_dim3A_30 : vector<1x64xf32>
    %swap3A = arith.constant 0 : index
    %swap3A_32 = arith.constant 0 : index
    %swap3A_33 = vector.load %arg4[%swap3A, %swap3A_32] : memref<8x64xf32, #tpu.memory_space<vmem>>, vector<1x64xf32>
    tpu.vector_store %arg4[%swap3A, %swap3A_32], %add3A_31 {strides = array<i32>} : memref<8x64xf32, #tpu.memory_space<vmem>>, vector<1x64xf32>,
    %mul3A_34 = arith.constant 48 : i32
    %mul3A_35 = vector.broadcast %mul3A_34 : i32 to vector<512x1xi32>
    %mul3A_36 = arith.muli %broadcast_in_dim3A_9, %mul3A_35 : vector<512x1xi32>
    %lt3A = arith.constant 40 : i32
    %lt3A_37 = vector.broadcast %lt3A : i32 to vector<512x1xi32>
    %lt3A_38 = arith.cmpi slt, %convert_element_type3A_27, %lt3A_37 : vector<512x1xi32>
    %add3A_39 = arith.addi %mul3A_36, %convert_element_type3A_27 : vector<512x1xi32>
    %jit3A_40 = arith.constant 3072 : i32
    %broadcast_in_dim3A_41 = vector.broadcast %jit3A_40 : i32 to vector<512x1xi32>
    %select_n3A_42 = arith.select %lt3A_38, %add3A_39, %broadcast_in_dim3A_41 : vector<512x1xi1>, vector<512x1xi32>
    %swap3A_43 = arith.constant 0 : index
    %swap3A_44 = arith.constant 0 : index
    %swap3A_45 = vector.load %arg2[%swap3A_43, %swap3A_44] : memref<512x1xi32, #tpu.memory_space<vmem>>, vector<512x1xi32>
    tpu.vector_store %arg2[%swap3A_43, %swap3A_44], %select_n3A_42 {strides = array<i32>} : memref<512x1xi32, #tpu.memory_space<vmem>>, vector<512x1xi32>,
    %min3A = arith.constant 40 : i32
    %min3A_46 = vector.broadcast %min3A : i32 to vector<512x1xi32>
    %min3A_47 = arith.minsi %convert_element_type3A_27, %min3A_46 : vector<512x1xi32>
    %add3A_48 = arith.addi %mul3A_36, %min3A_47 : vector<512x1xi32>
    %swap3A_49 = arith.constant 0 : index
    %swap3A_50 = arith.constant 0 : index
    %swap3A_51 = vector.load %arg3[%swap3A_49, %swap3A_50] : memref<512x1xi32, #tpu.memory_space<vmem>>, vector<512x1xi32>
    tpu.vector_store %arg3[%swap3A_49, %swap3A_50], %add3A_48 {strides = array<i32>} : memref<512x1xi32, #tpu.memory_space<vmem>>, vector<512x1xi32>,
    return
  }
  func.func @transform_0(%arg0: i32) -> (i32, i32) {
    %c0_i32 = arith.constant 0 : i32
    %c0_i32_0 = arith.constant 0 : i32
    return %arg0, %c0_i32 : i32, i32
  }
  func.func @transform_1(%arg0: i32) -> (i32, i32) {
    %c0_i32 = arith.constant 0 : i32
    %c0_i32_0 = arith.constant 0 : i32
    return %arg0, %c0_i32 : i32, i32
  }
  func.func @transform_2(%arg0: i32) -> (i32, i32) {
    %c0_i32 = arith.constant 0 : i32
    %c0_i32_0 = arith.constant 0 : i32
    return %arg0, %c0_i32 : i32, i32
  }
}

module attributes {stable_mosaic.version = 14 : i64} {
  func.func @_ffn_body(%arg0: i32, %arg1: i32, %arg2: memref<48x768xf32, #tpu.memory_space<vmem>>, %arg3: memref<1x768x1024xf32, #tpu.memory_space<vmem>>, %arg4: memref<1x1024x768xf32, #tpu.memory_space<vmem>>, %arg5: memref<48x768xf32, #tpu.memory_space<vmem>>) attributes {dimension_semantics = [#tpu.dimension_semantics<parallel>, #tpu.dimension_semantics<arbitrary>], iteration_bounds = array<i64: 64, 3>, scalar_prefetch = 0 : i64, scratch_operands = 0 : i64, tpu.core_type = #tpu.core_type<tc>, window_params = [{transform_indices = @transform_0, window_bounds = array<i64: 48, 768>}, {transform_indices = @transform_1, window_bounds = array<i64: 1, 768, 1024>}, {transform_indices = @transform_2, window_bounds = array<i64: 1, 1024, 768>}, {transform_indices = @transform_3, window_bounds = array<i64: 48, 768>}]} {
    %get3A = arith.constant 0 : index
    %get3A_0 = arith.constant 0 : index
    %get3A_1 = vector.load %arg2[%get3A, %get3A_0] : memref<48x768xf32, #tpu.memory_space<vmem>>, vector<48x768xf32>
    %iota3A = tpu.iota {dimensions = array<i32: 0>} : vector<48x1xi32>
    %lt3A = arith.constant 40 : i32
    %lt3A_2 = vector.broadcast %lt3A : i32 to vector<48x1xi32>
    %lt3A_3 = arith.cmpi slt, %iota3A, %lt3A_2 : vector<48x1xi32>
    %jit3A = arith.constant 0.000000e+00 : f32
    %broadcast_in_dim3A = vector.shape_cast %lt3A_3 : vector<48x1xi1> to vector<48x1xi1>
    %broadcast_in_dim3A_4 = vector.broadcast %broadcast_in_dim3A : vector<48x1xi1> to vector<48x768xi1>
    %broadcast_in_dim3A_5 = vector.broadcast %jit3A : f32 to vector<48x768xf32>
    %select_n3A = arith.select %broadcast_in_dim3A_4, %get3A_1, %broadcast_in_dim3A_5 : vector<48x768xi1>, vector<48x768xf32>
    %get3A_6 = arith.constant 0 : index
    %get3A_7 = arith.constant 0 : index
    %get3A_8 = arith.constant 0 : index
    %get3A_9 = vector.load %arg3[%get3A_6, %get3A_7, %get3A_8] : memref<1x768x1024xf32, #tpu.memory_space<vmem>>, vector<1x768x1024xf32>
    %get3A_10 = vector.shape_cast %get3A_9 : vector<1x768x1024xf32> to vector<768x1024xf32>
    %dot_general3A = arith.constant dense<0.000000e+00> : vector<48x1024xf32>
    %dot_general3A_11 = tpu.matmul %select_n3A, %get3A_10, %dot_general3A {dimension_numbers = #tpu.dot_dimension_numbers<[1], [0], [0], [1], [0, 0, 1, 1], [], []>, transpose_lhs_hint = false} : vector<48x768xf32>, vector<768x1024xf32>, vector<48x1024xf32> -> vector<48x1024xf32>
    %logistic3A = arith.negf %dot_general3A_11 : vector<48x1024xf32>
    %logistic3A_12 = math.exp %logistic3A : vector<48x1024xf32>
    %logistic3A_13 = arith.constant 1.000000e+00 : f32
    %logistic3A_14 = vector.broadcast %logistic3A_13 : f32 to vector<48x1024xf32>
    %logistic3A_15 = arith.addf %logistic3A_14, %logistic3A_12 : vector<48x1024xf32>
    %logistic3A_16 = arith.divf %logistic3A_14, %logistic3A_15 : vector<48x1024xf32>
    %mul3A = arith.mulf %dot_general3A_11, %logistic3A_16 : vector<48x1024xf32>
    %get3A_17 = arith.constant 0 : index
    %get3A_18 = arith.constant 0 : index
    %get3A_19 = arith.constant 0 : index
    %get3A_20 = vector.load %arg4[%get3A_17, %get3A_18, %get3A_19] : memref<1x1024x768xf32, #tpu.memory_space<vmem>>, vector<1x1024x768xf32>
    %get3A_21 = vector.shape_cast %get3A_20 : vector<1x1024x768xf32> to vector<1024x768xf32>
    %dot_general3A_22 = arith.constant dense<0.000000e+00> : vector<48x768xf32>
    %dot_general3A_23 = tpu.matmul %mul3A, %get3A_21, %dot_general3A_22 {dimension_numbers = #tpu.dot_dimension_numbers<[1], [0], [0], [1], [0, 0, 1, 1], [], []>, transpose_lhs_hint = false} : vector<48x1024xf32>, vector<1024x768xf32>, vector<48x768xf32> -> vector<48x768xf32>
    %eq3A = arith.constant 0 : i32
    %eq3A_24 = arith.cmpi eq, %arg1, %eq3A : i32
    %convert_element_type3A = arith.extui %eq3A_24 : i1 to i32
    %cond3A = arith.constant 0 : i32
    %cond3A_25 = arith.cmpi ne, %convert_element_type3A, %cond3A : i32
    scf.if %cond3A_25 {
      %broadcast_in_dim3A_31 = arith.constant 0.000000e+00 : f32
      %broadcast_in_dim3A_32 = vector.broadcast %broadcast_in_dim3A_31 : f32 to vector<48x768xf32>
      %swap3A_33 = arith.constant 0 : index
      %swap3A_34 = arith.constant 0 : index
      %swap3A_35 = vector.load %arg5[%swap3A_33, %swap3A_34] : memref<48x768xf32, #tpu.memory_space<vmem>>, vector<48x768xf32>
      tpu.vector_store %arg5[%swap3A_33, %swap3A_34], %broadcast_in_dim3A_32 {strides = array<i32>} : memref<48x768xf32, #tpu.memory_space<vmem>>, vector<48x768xf32>,
    } else {
    }
    %get3A_26 = arith.constant 0 : index
    %get3A_27 = arith.constant 0 : index
    %get3A_28 = vector.load %arg5[%get3A_26, %get3A_27] : memref<48x768xf32, #tpu.memory_space<vmem>>, vector<48x768xf32>
    %add3A = arith.addf %get3A_28, %dot_general3A_23 : vector<48x768xf32>
    %swap3A = arith.constant 0 : index
    %swap3A_29 = arith.constant 0 : index
    %swap3A_30 = vector.load %arg5[%swap3A, %swap3A_29] : memref<48x768xf32, #tpu.memory_space<vmem>>, vector<48x768xf32>
    tpu.vector_store %arg5[%swap3A, %swap3A_29], %add3A {strides = array<i32>} : memref<48x768xf32, #tpu.memory_space<vmem>>, vector<48x768xf32>,
    return
  }
  func.func @transform_0(%arg0: i32, %arg1: i32) -> (i32, i32) {
    %c0_i32 = arith.constant 0 : i32
    %c0_i32_0 = arith.constant 0 : i32
    return %arg0, %c0_i32 : i32, i32
  }
  func.func @transform_1(%arg0: i32, %arg1: i32) -> (i32, i32, i32) {
    %c0_i32 = arith.constant 0 : i32
    %c0_i32_0 = arith.constant 0 : i32
    return %arg0, %c0_i32, %arg1 : i32, i32, i32
  }
  func.func @transform_2(%arg0: i32, %arg1: i32) -> (i32, i32, i32) {
    %c0_i32 = arith.constant 0 : i32
    %c0_i32_0 = arith.constant 0 : i32
    return %arg0, %arg1, %c0_i32 : i32, i32, i32
  }
  func.func @transform_3(%arg0: i32, %arg1: i32) -> (i32, i32) {
    %c0_i32 = arith.constant 0 : i32
    %c0_i32_0 = arith.constant 0 : i32
    return %arg0, %c0_i32 : i32, i32
  }
}

</mosaic_0001>

<sc_bundles>
// kernel: kernel.6.cloned.1.call-start
scs
__scs_entry_jumppad:
0x0: {  	(pc) =	sbr.rel $0x88, $3  }
0x1: {  	(tag) =	ssettag $0x0;
	lr =	simm.s32 $0x1  }
0x2: {  	[smem:$0x3F9B] =	sst lr;
	_ =	strace $0xD0000000  }
0x3: {  	_ = 	snop  }
0x4: {  	_ = 	snop  }
0x5: {  	_ = 	snop  }
0x6: {  	_ = 	snop  }
0x7: {  	_ = 	snop  }
__scs_overlays_trampoline_lowered:
0x8: {  	[smem:$0x3FAA] =	sst s0  }
0x9: {  	[smem:$0x3FAB] =	sst s1  }
0xa: {  	[smem:$0x3FAC] =	sst s2  }
0xb: {  	[smem:$0x3FAD] =	sst s3  }
0xc: {  	[smem:$0x3FAE] =	sst s4  }
0xd: {  	[smem:$0x3FAF] =	sst s5  }
0xe: {  	[smem:$0x3FB0] =	sst s6  }
0xf: {  	[smem:$0x3FB1] =	sst s7  }
0x10: {  	[smem:$0x3FB2] =	sst s8  }
0x11: {  	[smem:$0x3FB3] =	sst s9;
	s0 =	simm.s32 @!p0 $0x0  }
0x12: {  	s1 =	sld [smem:$0x3F99];
	s0 =	simm.s32 @p0 $0x1  }
0x13: {  	[smem:$0x3FB4] =	sst s0;
	s0 =	simm.s32 @!p1 $0x0  }
0x14: {  	s2 =	sld [smem:$0x3F98];
	s0 =	simm.s32 @p1 $0x1  }
0x15: {  	[smem:$0x3FB5] =	sst s0;
	s0 =	simm.s32 @!p2 $0x0  }
0x16: {  	s3 =	sld [smem:$0x3FDB];
	s0 =	simm.s32 @p2 $0x1  }
0x17: {  	s4 =	simm.s32 $0x1BF5;
	[smem:$0x3FB7] =	sst s0  }
0x18: {  	s0 =	sld [smem:$0x3F9A];
	_ =	swait.ge [sflag:s4], $0x0  }
0x19: {  	s7 =	sld [smem:$0x3F9B]  }
0x1a: {  	s8 =	sadd.s32 $0xFFFFE003, lr  }
0x1b: {  	s9 =	sadd.s32 $0xFFFFFEF7, lr;
	s5 =	simm.s32 $0xFFFFFFFF;
	p2 =	slt.u32 s8, $0xFFFFF086  }
0x1c: {  	p1 =	slt.u32 s9, $0xF7A;
	s5 =	simm.s32 @!p2 $0x0  }
0x1d: {  	s5 =	simm.s32 @p1 $0x1;
	p0 =	seq.s32 s7, s2  }
0x1e: {  	s7 =	smul.u32 @!p0 $0xF7A, s2;
	p2 =	seq.s32 @!p0 s5, $0x0  }
0x1f: {  	s9 =	smul.u32 $0xF7A, s1;
	s8 =	simm.s32 @!p0 $0x1BF5;
	p2 =	por !p2, p0  }
0x20: {  	[sflag:s8] =	ssyncset.s32 @!p0 $0xFFFFF086;
	s6 =	sadd.s32 @!p0 s3, s7;
	s7 =	simm.s32 @!p0 $0x108  }
0x21: {  	s3 =	sadd.s32 s3, s9;
	s6 =	sadd.s32 @!p0 $0x88, s6;
	s7 =	simm.s32 @p2 $0x1082  }
0x22: {  	[simem:s7], [sflag:s8] =	dma.local @!p0 [hbm:s6], $0xF7A  }
0x23: {  	s9 =	sor.u32 $0xD0000000, s2;
	s6 =	simm.s32 $0x108;
	_ =	swait.ge @!p0 [sflag:s8], $0x0  }
0x24: {  	s3 =	sadd.s32 $0x88, s3;
	s6 =	simm.s32 @!p1 $0x1082;
	[sflag:s4] =	ssyncset.s32 $0xFFFFF086  }
0x25: {  	[simem:s6], [sflag:s4] =	dma.local [hbm:s3], $0xF7A  }
0x26: {  	[smem:$0x3F9B] =	sst s1;
	(tag) =	ssettag s2;
	_ =	strace s9  }
0x27: {  	s1 =	sld [smem:$0x3FAB]  }
0x28: {  	s2 =	sld [smem:$0x3FAC]  }
0x29: {  	s4 =	sld [smem:$0x3FAE]  }
0x2a: {  	p0 =	seq.s32 s5, $0x0;
	s5 =	sld [smem:$0x3FAF]  }
0x2b: {  	s6 =	sld [smem:$0x3FB0]  }
0x2c: {  	s7 =	sld [smem:$0x3FB1]  }
0x2d: {  	s3 =	simm.s32 $0x108;
	s8 =	sld [smem:$0x3FB2]  }
0x2e: {  	s3 =	simm.s32 @!p0 $0x1082;
	s9 =	sld [smem:$0x3FB3]  }
0x2f: {  	lr =	sadd.s32 s0, s3;
	s0 =	sld [smem:$0x3FAA]  }
0x30: {  	s3 =	sld [smem:$0x3FAD]  }
0x31: {  	[smem:$0x3FB6] =	sst s10  }
0x32: {  	s10 =	sld [smem:$0x3FB4];
	_ =	sdelay $0x3  }
0x33: {  	p0 =	seq.s32 s10, $0x1;
	s10 =	sld [smem:$0x3FB6];
	_ =	sdelay $0x3  }
0x34: {  	[smem:$0x3FB6] =	sst s10  }
0x35: {  	s10 =	sld [smem:$0x3FB5];
	_ =	sdelay $0x3  }
0x36: {  	p1 =	seq.s32 s10, $0x1;
	s10 =	sld [smem:$0x3FB6];
	_ =	sdelay $0x3  }
0x37: {  	[smem:$0x3FB6] =	sst s10  }
0x38: {  	s10 =	sld [smem:$0x3FB7]  }
0x39: {  	_ = 	snop;
	(pc) =	sbr.ind lr, $3  }
0x3a: {  	_ = 	snop  }
0x3b: {  	_ = 	snop  }
0x3c: {  	p2 =	seq.s32 s10, $0x1;
	s10 =	sld [smem:$0x3FB6]  }
0x3d: {  	_ =	shalt  }
0x3e: {  	_ =	shalt  }
0x3f: {  	_ =	shalt  }
0x40: {  	_ =	shalt  }
0x41: {  	_ =	shalt  }
0x42: {  	_ =	shalt  }
0x43: {  	_ =	shalt  }
0x44: {  	_ =	shalt  }
0x45: {  	_ =	shalt  }
0x46: {  	_ =	shalt  }
0x47: {  	_ =	shalt  }
0x48: {  	_ =	shalt  }
0x49: {  	_ =	shalt  }
0x4a: {  	_ =	shalt  }
0x4b: {  	_ =	shalt  }
0x4c: {  	_ =	shalt  }
0x4d: {  	_ =	shalt  }
0x4e: {  	_ =	shalt  }
0x4f: {  	_ =	shalt  }
0x50: {  	_ =	shalt  }
0x51: {  	_ =	shalt  }
0x52: {  	_ =	shalt  }
0x53: {  	_ =	shalt  }
0x54: {  	_ =	shalt  }
0x55: {  	_ =	shalt  }
0x56: {  	_ =	shalt  }
0x57: {  	_ =	shalt  }
0x58: {  	_ =	shalt  }
0x59: {  	_ =	shalt  }
0x5a: {  	_ =	shalt  }
0x5b: {  	_ =	shalt  }
0x5c: {  	_ =	shalt  }
0x5d: {  	_ =	shalt  }
0x5e: {  	_ =	shalt  }
0x5f: {  	_ =	shalt  }
0x60: {  	_ =	shalt  }
0x61: {  	_ =	shalt  }
0x62: {  	_ =	shalt  }
0x63: {  	_ =	shalt  }
0x64: {  	_ =	shalt  }
0x65: {  	_ =	shalt  }
0x66: {  	_ =	shalt  }
0x67: {  	_ =	shalt  }
0x68: {  	_ =	shalt  }
0x69: {  	_ =	shalt  }
0x6a: {  	_ =	shalt  }
0x6b: {  	_ =	shalt  }
0x6c: {  	_ =	shalt  }
0x6d: {  	_ =	shalt  }
0x6e: {  	_ =	shalt  }
0x6f: {  	_ =	shalt  }
0x70: {  	_ =	shalt  }
0x71: {  	_ =	shalt  }
0x72: {  	_ =	shalt  }
0x73: {  	_ =	shalt  }
0x74: {  	_ =	shalt  }
0x75: {  	_ =	shalt  }
0x76: {  	_ =	shalt  }
0x77: {  	_ =	shalt  }
0x78: {  	_ =	shalt  }
0x79: {  	_ =	shalt  }
0x7a: {  	_ =	shalt  }
0x7b: {  	_ =	shalt  }
0x7c: {  	_ =	shalt  }
0x7d: {  	_ =	shalt  }
0x7e: {  	_ =	shalt  }
0x7f: {  	_ =	shalt  }
0x80: {  	_ =	shalt  }
0x81: {  	_ =	shalt  }
0x82: {  	_ =	shalt  }
0x83: {  	_ =	shalt  }
0x84: {  	_ =	shalt  }
0x85: {  	_ =	shalt  }
0x86: {  	_ =	shalt  }
0x87: {  	_ =	shalt  }
.Lfunc_end0:
.L_simem_size_0:
called_computation_lowered:
.L_overlay_start_0:
0x88: {  	s2 =	sld [smem:$0x3FD9]  }
0x89: {  	s3 =	sld [smem:$0x3FFE];
	_ =	sdelay $0x1  }
0x8a: {  	s1 =	srdreg.scid  }
0x8b: {  	s0 =	sand.u32 $0x1, s1  }
0x8c: {  	s17 =	sshll.u32 s0, $0xA;
	s2 =	sadd.s32 s3, s2  }
0x8d: {  	s2 =	sadd.s32 s2, s17  }
0x8e: {  	[smem:$0x3FC2] =	sst s2  }
0x8f: {  	_ = 	snop  }
0x90: {  	s2 =	sld [smem:$0x3FC9]  }
0x91: {  	s18 =	sld [smem:$0x3FD0];
	(tm) =	ssettm $0x1  }
0x92: {  	s4 =	sld [smem:$0x3FFB];
	_ =	sdelay $0x3  }
0x93: {  	_ =	strace s4  }
0x94: {  	s4 =	sld [smem:$0x3FFC];
	_ =	sdelay $0x3  }
0x95: {  	_ =	strace s4  }
0x96: {  	s4 =	sld [smem:$0x3FFD];
	_ =	sdelay $0x3  }
0x97: {  	_ =	strace s4  }
0x98: {  	_ =	strace $0x8FFFFFFF  }
0x99: {  	s19 =	sld [smem:$0x3FDB];
	_ =	sdelay $0x1  }
0x9a: {  	s5 =	simm.s32 $_scs_section_size  }
0x9b: {  	s6 =	simm.s32 $_size__tile_overlayer_lowered;
	s7 =	simm.s32 $_tile_overlayer_lowered  }
0x9c: {  	s22 =	simm.s32 $0x1BFF;
	s21 =	sshll.u32 s7, $0x1;
	s4 =	sadd.s32 s5, s19  }
0x9d: {  	s8 =	simm.s32 $0x0;
	s20 =	sshll.u32 s6, $0x1;
	s6 =	sadd.s32 s21, s4  }
0x9e: {  	[timem:s8], [sflag:s22] =	dma.local [hbm:s6], s20  }
0x9f: {  	_ =	swait.ge [sflag:s22], s20  }
0xa0: {  	s5 =	ssub.s32 $0x0, s20;
	[sflag:s22] =	ssyncset.done $0x0  }
0xa1: {  	[sflag:s22] =	ssyncadd.s32 s5;
	_ =	sdelay $0x1  }
0xa2: {  	s23 =	simm.s32 $0x1B8B  }
0xa3: {  	_ =	swait.ge [sflag:s23], $0x1  }
0xa4: {  	[sflag:s23] =	ssyncset.done $0x0  }
0xa5: {  	s25 =	simm.s32 $0x1B8E;
	s24 =	sld [smem:$0x3FFE];
	[sflag:s23] =	ssyncadd.s32 $0xFFFFFFFF  }
0xa6: {  	s26 =	simm.s32 $execute0_lowered;
	[smem:$0x3FD2] =	sst s25  }
0xa7: {  	s6 =	sshll.u32 s26, $0x1;
	_ =	strace $0x80000046;
	[dreg:$0x1] =	wrdreg $0xFFFFFFFF  }
0xa8: {  	s28 =	simm.s32 $_size_execute0_lowered;
	s4 =	sadd.s32 s4, s6;
	[dreg:$0x0] =	wrdreg $0x0  }
0xa9: {  	s6 =	sshll.u32 s28, $0x1;
	[dreg:$0x2] =	wrdreg s4  }
0xaa: {  	[dreg:$0x3] =	wrdreg s6  }
0xab: {  	[dreg:$0x4] =	wrdreg $0xC0  }
0xac: {  	_ =	task [dreg:s8], $0x5FFFF  }
0xad: {  	[dreg:$0x1] =	wrdreg $0xFFFFFFFF  }
0xae: {  	[dreg:$0x0] =	wrdreg $0x60  }
0xaf: {  	[dreg:$0x2] =	wrdreg s2  }
0xb0: {  	[dreg:$0x3] =	wrdreg s18  }
0xb1: {  	[dreg:$0x4] =	wrdreg s24  }
0xb2: {  	[dreg:$0x5] =	wrdreg $0x9  }
0xb3: {  	_ =	task.clear_ibuf [dreg:s8], $0x6FFFF;
	_ =	strace $0x90000046  }
0xb4: {  	s29 =	simm.s32 $0x9;
	_ =	strace $0x80000048  }
0xb5: {  	_ =	swait.ge [sflag:s29], $0x1  }
0xb6: {  	[sflag:s29] =	ssyncadd.s32 $0xFFFFFFFF  }
0xb7: {  	_ =	strace $0x90000048  }
0xb8: {  	_ =	sfence  }
0xb9: {  	s30 =	sld [smem:$0x0];
	_ =	sdelay $0x2  }
0xba: {  	s31 =	sshll.u32 s1, $0xD;
	s1 =	sshrl.u32 s1, $0x2  }
0xbb: {  	s3 =	sand.u32 $0x4000, s31;
	s1 =	sadd.s32 s1, s30  }
0xbc: {  	s0 =	sor.u32 s3, s0;
	s1 =	sshll.u32 s1, $0x11  }
0xbd: {  	s0 =	sor.u32 s1, s0  }
0xbe: {  	s0 =	sadd.s32 $0x8F2B, s0  }
0xbf: {  	[sflag:s0] =	ssyncadd.remote.s32 $0x1  }
0xc0: {  	_ =	sfence.sel $0xFFFF  }
0xc1: {  	[dreg:$0x0] =	wrdreg $0xFFFFFFFF;
	(pc) =	sbr.abs _section_cstart, $3  }
0xc2: {  	[dreg:$0x1] =	wrdreg $0xFFFFFFFF  }
0xc3: {  	_ =	task.clear_ibuf [dreg:s8], $0x2FFFF;
	_ =	strace $0x9FFFFFFF  }
0xc4: {  	(tm) =	ssettm $0x7FFFFFFF  }
0xc5: {  	_ =	shalt  }
tec
execute0_lowered:
.L_overlay_start_1:
0x0: {  	(tag) =	ssettag $0x1  }
0x1: {  	s1 =	rddreg [dreg:$0x0]  }
0x2: {  	s2 =	srdreg.scid;
	s3 =	rddreg [dreg:$0x1]  }
0x3: {  	s0 =	stileid.u32;
	s5 =	rddreg [dreg:$0x2]  }
0x4: {  	s8 =	simm.s32 $0x1;
	s26 =	simm.s32 $0x880;
	s9 =	simm.s32 $0x2  }
0x5: {  	s11 =	simm.s32 $0x1880;
	s12 =	simm.s32 $0x2080;
	s13 =	simm.s32 $0x2880  }
0x6: {  	s14 =	simm.s32 $0x3080;
	s15 =	simm.s32 $0x3880;
	s16 =	simm.s32 $0x4080  }
0x7: {  	s17 =	simm.s32 $0x4880;
	s18 =	simm.s32 $0x5080;
	s19 =	simm.s32 $0x5880  }
0x8: {  	s20 =	simm.s32 $0x6080;
	s21 =	simm.s32 $0x6880;
	s22 =	simm.s32 $0x7080  }
0x9: {  	s23 =	simm.s32 $0x7880;
	s24 =	simm.s32 $0x8080;
	s28 =	simm.s32 $0x9880  }
0xa: {  	s29 =	simm.s32 $0xA080;
	s30 =	simm.s32 $0xA880;
	s31 =	simm.s32 $0xB080  }
0xb: {  	s4 =	sand.u32 $0x1, s2;
	s6 =	sshll.u32 s0, $0x4;
	s2 =	simm.s32 $0x0  }
0xc: {  	s7 =	sshll.u32 s4, $0x3;
	[smem:$0x7FF] =	sst s2;
	s4 =	ssub.s32 $0x2, s4  }
0xd: {  	s6 =	sor.u32 s7, s6;
	_ =	strace $0x80000047;
	s25 =	sshrl.u32 s4, $0x1  }
0xe: {  	[dreg:$0x6] =	wrdreg s26;
	s26 =	simm.s32 $0x9080;
	s7 =	smul.u32 $0x300, s6  }
0xf: {  	s3 =	sadd.s32 s3, s6;
	s6 =	ssub.s32 s4, s25;
	s4 =	sadd.s32 $0x1100, s5  }
0x10: {  	v2 =	vlaneseq.u32;
	s25 =	simm.s32 $0x8880;
	[dreg:$0x4] =	wrdreg s3;
	s3 =	sadd.s32 $0x1000, s5  }
0x11: {  	vm0 =	vmmov $0xffff;
	v1 =	vshrl.u32 v2, $0x3;
	s5 =	sadd.s32 $0x1200, s5;
	s6 =	smax.u32 s6, $0x1;
	s1 =	sadd.s32 s1, s7  }
0x12: {  	v0 =	vand.u32 $0x7, v2;
	v2 =	vor.u32 $0x8, v2;
	v1 =	vmul.u32 $0x8, v1;
	s7 =	simm.s32 $0x80;
	[dreg:$0x5] =	wrdreg s1;
	s1 =	simm.s32 $0xB880  }
.LBB2_1:
0x13: {  	s0 =	rddreg [dreg:$0x4]  }
0x14: {  	[tilespmem:s2], [sflag:$0x1] =	stream.linear.gather [hbm4b:s0+s2], $0x40, $0x38;
	[tilespmem:$0xC080] =	vst v63  }
0x15: {  	s10 =	rddreg [dreg:$0x5]  }
0x16: {  	[tilespmem:s7], [sflag:$0x2] =	stream.linear.gather [hbm4b:s10+s2], $0xC000, $0x38;
	[tilespmem:$0xC080] =	vst v63  }
0x17: {  	_ =	swait.ge [sflag:s8], $0x40  }
0x18: {  	[sflag:s8] =	ssyncset.done $0x0  }
0x19: {  	[sflag:s8] =	ssyncadd.s32 $0xFFFFFFC0  }
0x1a: {  	_ =	swait.ge [sflag:s9], $0xC000  }
0x1b: {  	[sflag:s9] =	ssyncset.done $0x0  }
0x1c: {  	[sflag:s9] =	ssyncadd.s32 $0xFFFF4000  }
0x1d: {  	v3 =	vld [tilespmem:$0x0];
	_ =	sdelay $0x4  }
0x1e: {  	v4 =	vshrl.u32 v3, $0x3  }
0x1f: {  	v4 =	vmul.u32 $0x30, v4  }
0x20: {  	v3 =	vand.u32 $0x7, v3  }
0x21: {  	v3 =	vor.u32 v3, v4  }
0x22: {  	v4 =	vperm.xlane v3, v0;
	_ =	sdelay $0x1  }
0x23: {  	v4 =	vadd.s32 v1, v4;
	_ =	sdelay $0x3  }
0x24: {  	v3 =	vperm.xlane v3, v2  }
0x25: {  	[hbm4b:s3+s2] =	stream.indirect_vreg.scatter [tilespmem:s7], [sflag:$0x1], $0x80, v4, vm0, $0xb8;
	[tilespmem:$0xC080] =	vst v63  }
0x26: {  	s10 =	rddreg [dreg:$0x6];
	v3 =	vadd.s32 v1, v3  }
0x27: {  	[hbm4b:s4+s2] =	stream.indirect_vreg.scatter [tilespmem:s10], [sflag:$0x1], $0x80, v4, vm0, $0xb8;
	[tilespmem:$0xC080] =	vst v63  }
0x28: {  	s10 =	simm.s32 $0x1080  }
0x29: {  	[hbm4b:s5+s2] =	stream.indirect_vreg.scatter [tilespmem:s10], [sflag:$0x1], $0x80, v4, vm0, $0xb8;
	[tilespmem:$0xC080] =	vst v63  }
0x2a: {  	_ = 	snop  }
0x2b: {  	[hbm4b:s3+s2] =	stream.indirect_vreg.scatter [tilespmem:s11], [sflag:$0x1], $0x80, v3, vm0, $0xb8;
	[tilespmem:$0xC080] =	vst v63  }
0x2c: {  	_ = 	snop  }
0x2d: {  	[hbm4b:s4+s2] =	stream.indirect_vreg.scatter [tilespmem:s12], [sflag:$0x1], $0x80, v3, vm0, $0xb8;
	[tilespmem:$0xC080] =	vst v63  }
0x2e: {  	_ = 	snop  }
0x2f: {  	[hbm4b:s5+s2] =	stream.indirect_vreg.scatter [tilespmem:s13], [sflag:$0x1], $0x80, v3, vm0, $0xb8;
	[tilespmem:$0xC080] =	vst v63  }
0x30: {  	v3 =	vld [tilespmem:$0x10];
	_ =	sdelay $0x4  }
0x31: {  	v61 =	vshrl.u32 v3, $0x3  }
0x32: {  	v4 =	vmul.u32 $0x30, v61  }
0x33: {  	v3 =	vand.u32 $0x7, v3  }
0x34: {  	v3 =	vor.u32 v3, v4  }
0x35: {  	v4 =	vperm.xlane v3, v0;
	_ =	sdelay $0x1  }
0x36: {  	v4 =	vadd.s32 v1, v4;
	_ =	sdelay $0x3  }
0x37: {  	v3 =	vperm.xlane v3, v2  }
0x38: {  	[hbm4b:s3+s2] =	stream.indirect_vreg.scatter [tilespmem:s14], [sflag:$0x1], $0x80, v4, vm0, $0xb8;
	[tilespmem:$0xC080] =	vst v63  }
0x39: {  	v3 =	vadd.s32 v1, v3  }
0x3a: {  	[hbm4b:s4+s2] =	stream.indirect_vreg.scatter [tilespmem:s15], [sflag:$0x1], $0x80, v4, vm0, $0xb8;
	[tilespmem:$0xC080] =	vst v63  }
0x3b: {  	_ = 	snop  }
0x3c: {  	[hbm4b:s5+s2] =	stream.indirect_vreg.scatter [tilespmem:s16], [sflag:$0x1], $0x80, v4, vm0, $0xb8;
	[tilespmem:$0xC080] =	vst v63  }
0x3d: {  	_ = 	snop  }
0x3e: {  	[hbm4b:s3+s2] =	stream.indirect_vreg.scatter [tilespmem:s17], [sflag:$0x1], $0x80, v3, vm0, $0xb8;
	[tilespmem:$0xC080] =	vst v63  }
0x3f: {  	_ = 	snop  }
0x40: {  	[hbm4b:s4+s2] =	stream.indirect_vreg.scatter [tilespmem:s18], [sflag:$0x1], $0x80, v3, vm0, $0xb8;
	[tilespmem:$0xC080] =	vst v63  }
0x41: {  	_ = 	snop  }
0x42: {  	[hbm4b:s5+s2] =	stream.indirect_vreg.scatter [tilespmem:s19], [sflag:$0x1], $0x80, v3, vm0, $0xb8;
	[tilespmem:$0xC080] =	vst v63  }
0x43: {  	v3 =	vld [tilespmem:$0x20];
	_ =	sdelay $0x4  }
0x44: {  	v62 =	vshrl.u32 v3, $0x3  }
0x45: {  	v4 =	vmul.u32 $0x30, v62  }
0x46: {  	v3 =	vand.u32 $0x7, v3  }
0x47: {  	v3 =	vor.u32 v3, v4  }
0x48: {  	v4 =	vperm.xlane v3, v0;
	_ =	sdelay $0x1  }
0x49: {  	v4 =	vadd.s32 v1, v4;
	_ =	sdelay $0x3  }
0x4a: {  	v3 =	vperm.xlane v3, v2  }
0x4b: {  	[hbm4b:s3+s2] =	stream.indirect_vreg.scatter [tilespmem:s20], [sflag:$0x1], $0x80, v4, vm0, $0xb8;
	[tilespmem:$0xC080] =	vst v63  }
0x4c: {  	v3 =	vadd.s32 v1, v3  }
0x4d: {  	[hbm4b:s4+s2] =	stream.indirect_vreg.scatter [tilespmem:s21], [sflag:$0x1], $0x80, v4, vm0, $0xb8;
	[tilespmem:$0xC080] =	vst v63  }
0x4e: {  	_ = 	snop  }
0x4f: {  	[hbm4b:s5+s2] =	stream.indirect_vreg.scatter [tilespmem:s22], [sflag:$0x1], $0x80, v4, vm0, $0xb8;
	[tilespmem:$0xC080] =	vst v63  }
0x50: {  	_ = 	snop  }
0x51: {  	[hbm4b:s3+s2] =	stream.indirect_vreg.scatter [tilespmem:s23], [sflag:$0x1], $0x80, v3, vm0, $0xb8;
	[tilespmem:$0xC080] =	vst v63  }
0x52: {  	_ = 	snop  }
0x53: {  	[hbm4b:s4+s2] =	stream.indirect_vreg.scatter [tilespmem:s24], [sflag:$0x1], $0x80, v3, vm0, $0xb8;
	[tilespmem:$0xC080] =	vst v63  }
0x54: {  	_ = 	snop  }
0x55: {  	[hbm4b:s5+s2] =	stream.indirect_vreg.scatter [tilespmem:s25], [sflag:$0x1], $0x80, v3, vm0, $0xb8;
	[tilespmem:$0xC080] =	vst v63  }
0x56: {  	v3 =	vld [tilespmem:$0x30];
	_ =	sdelay $0x4  }
0x57: {  	v63 =	vshrl.u32 v3, $0x3  }
0x58: {  	v4 =	vmul.u32 $0x30, v63  }
0x59: {  	v3 =	vand.u32 $0x7, v3  }
0x5a: {  	v3 =	vor.u32 v3, v4  }
0x5b: {  	v4 =	vperm.xlane v3, v0;
	_ =	sdelay $0x1  }
0x5c: {  	v4 =	vadd.s32 v1, v4;
	_ =	sdelay $0x3  }
0x5d: {  	v3 =	vperm.xlane v3, v2  }
0x5e: {  	[hbm4b:s3+s2] =	stream.indirect_vreg.scatter [tilespmem:s26], [sflag:$0x1], $0x80, v4, vm0, $0xb8;
	[tilespmem:$0xC080] =	vst v63  }
0x5f: {  	v3 =	vadd.s32 v1, v3  }
0x60: {  	[hbm4b:s4+s2] =	stream.indirect_vreg.scatter [tilespmem:s28], [sflag:$0x1], $0x80, v4, vm0, $0xb8;
	[tilespmem:$0xC080] =	vst v63  }
0x61: {  	_ = 	snop  }
0x62: {  	[hbm4b:s5+s2] =	stream.indirect_vreg.scatter [tilespmem:s29], [sflag:$0x1], $0x80, v4, vm0, $0xb8;
	[tilespmem:$0xC080] =	vst v63  }
0x63: {  	_ = 	snop  }
0x64: {  	[hbm4b:s3+s2] =	stream.indirect_vreg.scatter [tilespmem:s30], [sflag:$0x1], $0x80, v3, vm0, $0xb8;
	[tilespmem:$0xC080] =	vst v63  }
0x65: {  	p0 =	sne.s32 s6, $0x1  }
0x66: {  	[hbm4b:s4+s2] =	stream.indirect_vreg.scatter [tilespmem:s31], [sflag:$0x1], $0x80, v3, vm0, $0xb8;
	[tilespmem:$0xC080] =	vst v63  }
.Ltmp0:
0x67: {  	_ = 	snop;
	(pc) =	sbr.rel @p0 .LBB2_1-.Ltmp0, $4  }
0x68: {  	[hbm4b:s5+s2] =	stream.indirect_vreg.scatter [tilespmem:s1], [sflag:$0x1], $0x80, v3, vm0, $0xb8;
	[tilespmem:$0xC080] =	vst v63  }
0x69: {  	_ =	swait.ge [sflag:s8], $0xC000  }
0x6a: {  	[sflag:s8] =	ssyncset.done $0x0  }
0x6b: {  	s6 =	sadd.s32 $0xFFFFFFFF, s6;
	[sflag:s8] =	ssyncadd.s32 $0xFFFF4000  }
0x6c: {  	_ =	sfence.sel $0x180000  }
0x6d: {  	[bflag:$0x0] =	sbarrier.arrive $0xFFFF  }
0x6e: {  	_ =	strace $0x90000047  }
0x6f: {  	s0 =	stileid.u32;
	[bflag:$0x2] =	sbarrier.arrive $0xFFFF  }
0x70: {  	p0 =	sne.s32 s0, $0x0;
	s0 =	rddreg [dreg:$0x3]  }
0x71: {  	s0 =	sadd.s32 @!p0 $0x100000, s0  }
0x72: {  	[sflag:s0] =	ssyncadd.tile.s32 @!p0 $0x1;
	_ =	shalt  }
.Lfunc_end2:
_tile_overlayer_lowered:
.L_overlay_start_2:
0x73: {  	(tag) =	ssettag $0x2  }
0x74: {  	s0 =	rddreg [dreg:$0x0];
	s2 =	stileid.u32  }
0x75: {  	s1 =	rddreg [dreg:$0x1];
	p0 =	sne.s32 s2, $0x0  }
0x76: {  	s3 =	rddreg [dreg:$0x2];
	[bflag:$0x3] =	sbarrier.arrive $0xFFFF;
	s2 =	simm.s32 @!p0 $0x1C03  }
0x77: {  	[timem:s3], [sflag:s2] =	dma.local @!p0 [hbm:s0], s1  }
0x78: {  	s0 =	simm.s32 @!p0 $0x3  }
0x79: {  	_ =	swait.ge @!p0 [sflag:s0], s1  }
0x7a: {  	s1 =	ssub.s32 @!p0 $0x0, s1;
	[sflag:s0] =	ssyncset.done @!p0 $0x0  }
0x7b: {  	[sflag:s0] =	ssyncadd.s32 @!p0 s1  }
0x7c: {  	[bflag:$0x3] =	sbarrier.arrive $0xFFFF  }
0x7d: {  	_ =	shalt  }

// kernel: kernel.9.cloned.1.call-start
scs
__scs_entry_jumppad:
0x0: {  	(pc) =	sbr.rel $0x88, $3  }
0x1: {  	(tag) =	ssettag $0x0;
	lr =	simm.s32 $0x1  }
0x2: {  	[smem:$0x3F9B] =	sst lr;
	_ =	strace $0xD0000000  }
0x3: {  	_ = 	snop  }
0x4: {  	_ = 	snop  }
0x5: {  	_ = 	snop  }
0x6: {  	_ = 	snop  }
0x7: {  	_ = 	snop  }
__scs_overlays_trampoline_lowered:
0x8: {  	[smem:$0x3FAA] =	sst s0  }
0x9: {  	[smem:$0x3FAB] =	sst s1  }
0xa: {  	[smem:$0x3FAC] =	sst s2  }
0xb: {  	[smem:$0x3FAD] =	sst s3  }
0xc: {  	[smem:$0x3FAE] =	sst s4  }
0xd: {  	[smem:$0x3FAF] =	sst s5  }
0xe: {  	[smem:$0x3FB0] =	sst s6  }
0xf: {  	[smem:$0x3FB1] =	sst s7  }
0x10: {  	[smem:$0x3FB2] =	sst s8  }
0x11: {  	[smem:$0x3FB3] =	sst s9;
	s0 =	simm.s32 @!p0 $0x0  }
0x12: {  	s1 =	sld [smem:$0x3F99];
	s0 =	simm.s32 @p0 $0x1  }
0x13: {  	[smem:$0x3FB4] =	sst s0;
	s0 =	simm.s32 @!p1 $0x0  }
0x14: {  	s2 =	sld [smem:$0x3F98];
	s0 =	simm.s32 @p1 $0x1  }
0x15: {  	[smem:$0x3FB5] =	sst s0;
	s0 =	simm.s32 @!p2 $0x0  }
0x16: {  	s3 =	sld [smem:$0x3FDB];
	s0 =	simm.s32 @p2 $0x1  }
0x17: {  	s4 =	simm.s32 $0x1BF5;
	[smem:$0x3FB7] =	sst s0  }
0x18: {  	s0 =	sld [smem:$0x3F9A];
	_ =	swait.ge [sflag:s4], $0x0  }
0x19: {  	s7 =	sld [smem:$0x3F9B]  }
0x1a: {  	s8 =	sadd.s32 $0xFFFFE003, lr  }
0x1b: {  	s9 =	sadd.s32 $0xFFFFFEF7, lr;
	s5 =	simm.s32 $0xFFFFFFFF;
	p2 =	slt.u32 s8, $0xFFFFF086  }
0x1c: {  	p1 =	slt.u32 s9, $0xF7A;
	s5 =	simm.s32 @!p2 $0x0  }
0x1d: {  	s5 =	simm.s32 @p1 $0x1;
	p0 =	seq.s32 s7, s2  }
0x1e: {  	s7 =	smul.u32 @!p0 $0xF7A, s2;
	p2 =	seq.s32 @!p0 s5, $0x0  }
0x1f: {  	s9 =	smul.u32 $0xF7A, s1;
	s8 =	simm.s32 @!p0 $0x1BF5;
	p2 =	por !p2, p0  }
0x20: {  	[sflag:s8] =	ssyncset.s32 @!p0 $0xFFFFF086;
	s6 =	sadd.s32 @!p0 s3, s7;
	s7 =	simm.s32 @!p0 $0x108  }
0x21: {  	s3 =	sadd.s32 s3, s9;
	s6 =	sadd.s32 @!p0 $0x88, s6;
	s7 =	simm.s32 @p2 $0x1082  }
0x22: {  	[simem:s7], [sflag:s8] =	dma.local @!p0 [hbm:s6], $0xF7A  }
0x23: {  	s9 =	sor.u32 $0xD0000000, s2;
	s6 =	simm.s32 $0x108;
	_ =	swait.ge @!p0 [sflag:s8], $0x0  }
0x24: {  	s3 =	sadd.s32 $0x88, s3;
	s6 =	simm.s32 @!p1 $0x1082;
	[sflag:s4] =	ssyncset.s32 $0xFFFFF086  }
0x25: {  	[simem:s6], [sflag:s4] =	dma.local [hbm:s3], $0xF7A  }
0x26: {  	[smem:$0x3F9B] =	sst s1;
	(tag) =	ssettag s2;
	_ =	strace s9  }
0x27: {  	s1 =	sld [smem:$0x3FAB]  }
0x28: {  	s2 =	sld [smem:$0x3FAC]  }
0x29: {  	s4 =	sld [smem:$0x3FAE]  }
0x2a: {  	p0 =	seq.s32 s5, $0x0;
	s5 =	sld [smem:$0x3FAF]  }
0x2b: {  	s6 =	sld [smem:$0x3FB0]  }
0x2c: {  	s7 =	sld [smem:$0x3FB1]  }
0x2d: {  	s3 =	simm.s32 $0x108;
	s8 =	sld [smem:$0x3FB2]  }
0x2e: {  	s3 =	simm.s32 @!p0 $0x1082;
	s9 =	sld [smem:$0x3FB3]  }
0x2f: {  	lr =	sadd.s32 s0, s3;
	s0 =	sld [smem:$0x3FAA]  }
0x30: {  	s3 =	sld [smem:$0x3FAD]  }
0x31: {  	[smem:$0x3FB6] =	sst s10  }
0x32: {  	s10 =	sld [smem:$0x3FB4];
	_ =	sdelay $0x3  }
0x33: {  	p0 =	seq.s32 s10, $0x1;
	s10 =	sld [smem:$0x3FB6];
	_ =	sdelay $0x3  }
0x34: {  	[smem:$0x3FB6] =	sst s10  }
0x35: {  	s10 =	sld [smem:$0x3FB5];
	_ =	sdelay $0x3  }
0x36: {  	p1 =	seq.s32 s10, $0x1;
	s10 =	sld [smem:$0x3FB6];
	_ =	sdelay $0x3  }
0x37: {  	[smem:$0x3FB6] =	sst s10  }
0x38: {  	s10 =	sld [smem:$0x3FB7]  }
0x39: {  	_ = 	snop;
	(pc) =	sbr.ind lr, $3  }
0x3a: {  	_ = 	snop  }
0x3b: {  	_ = 	snop  }
0x3c: {  	p2 =	seq.s32 s10, $0x1;
	s10 =	sld [smem:$0x3FB6]  }
0x3d: {  	_ =	shalt  }
0x3e: {  	_ =	shalt  }
0x3f: {  	_ =	shalt  }
0x40: {  	_ =	shalt  }
0x41: {  	_ =	shalt  }
0x42: {  	_ =	shalt  }
0x43: {  	_ =	shalt  }
0x44: {  	_ =	shalt  }
0x45: {  	_ =	shalt  }
0x46: {  	_ =	shalt  }
0x47: {  	_ =	shalt  }
0x48: {  	_ =	shalt  }
0x49: {  	_ =	shalt  }
0x4a: {  	_ =	shalt  }
0x4b: {  	_ =	shalt  }
0x4c: {  	_ =	shalt  }
0x4d: {  	_ =	shalt  }
0x4e: {  	_ =	shalt  }
0x4f: {  	_ =	shalt  }
0x50: {  	_ =	shalt  }
0x51: {  	_ =	shalt  }
0x52: {  	_ =	shalt  }
0x53: {  	_ =	shalt  }
0x54: {  	_ =	shalt  }
0x55: {  	_ =	shalt  }
0x56: {  	_ =	shalt  }
0x57: {  	_ =	shalt  }
0x58: {  	_ =	shalt  }
0x59: {  	_ =	shalt  }
0x5a: {  	_ =	shalt  }
0x5b: {  	_ =	shalt  }
0x5c: {  	_ =	shalt  }
0x5d: {  	_ =	shalt  }
0x5e: {  	_ =	shalt  }
0x5f: {  	_ =	shalt  }
0x60: {  	_ =	shalt  }
0x61: {  	_ =	shalt  }
0x62: {  	_ =	shalt  }
0x63: {  	_ =	shalt  }
0x64: {  	_ =	shalt  }
0x65: {  	_ =	shalt  }
0x66: {  	_ =	shalt  }
0x67: {  	_ =	shalt  }
0x68: {  	_ =	shalt  }
0x69: {  	_ =	shalt  }
0x6a: {  	_ =	shalt  }
0x6b: {  	_ =	shalt  }
0x6c: {  	_ =	shalt  }
0x6d: {  	_ =	shalt  }
0x6e: {  	_ =	shalt  }
0x6f: {  	_ =	shalt  }
0x70: {  	_ =	shalt  }
0x71: {  	_ =	shalt  }
0x72: {  	_ =	shalt  }
0x73: {  	_ =	shalt  }
0x74: {  	_ =	shalt  }
0x75: {  	_ =	shalt  }
0x76: {  	_ =	shalt  }
0x77: {  	_ =	shalt  }
0x78: {  	_ =	shalt  }
0x79: {  	_ =	shalt  }
0x7a: {  	_ =	shalt  }
0x7b: {  	_ =	shalt  }
0x7c: {  	_ =	shalt  }
0x7d: {  	_ =	shalt  }
0x7e: {  	_ =	shalt  }
0x7f: {  	_ =	shalt  }
0x80: {  	_ =	shalt  }
0x81: {  	_ =	shalt  }
0x82: {  	_ =	shalt  }
0x83: {  	_ =	shalt  }
0x84: {  	_ =	shalt  }
0x85: {  	_ =	shalt  }
0x86: {  	_ =	shalt  }
0x87: {  	_ =	shalt  }
.Lfunc_end0:
.L_simem_size_0:
called_computation.1_lowered:
.L_overlay_start_0:
0x88: {  	s2 =	sld [smem:$0x3FD9]  }
0x89: {  	s3 =	sld [smem:$0x3FFE];
	_ =	sdelay $0x1  }
0x8a: {  	s1 =	srdreg.scid  }
0x8b: {  	s0 =	sand.u32 $0x1, s1  }
0x8c: {  	s17 =	sshll.u32 s0, $0xA;
	s2 =	sadd.s32 s3, s2  }
0x8d: {  	s2 =	sadd.s32 s2, s17  }
0x8e: {  	[smem:$0x3FC2] =	sst s2  }
0x8f: {  	_ = 	snop  }
0x90: {  	s2 =	sld [smem:$0x3FD0];
	(tm) =	ssettm $0x1  }
0x91: {  	s18 =	sld [smem:$0x3FFB];
	_ =	sdelay $0x3  }
0x92: {  	_ =	strace s18  }
0x93: {  	s3 =	sld [smem:$0x3FFC];
	_ =	sdelay $0x3  }
0x94: {  	_ =	strace s3  }
0x95: {  	s3 =	sld [smem:$0x3FFD];
	_ =	sdelay $0x3  }
0x96: {  	_ =	strace s3  }
0x97: {  	_ =	strace $0x8FFFFFFF  }
0x98: {  	s19 =	sld [smem:$0x3FDB];
	_ =	sdelay $0x1  }
0x99: {  	s4 =	simm.s32 $_scs_section_size  }
0x9a: {  	s5 =	simm.s32 $_size__tile_overlayer_lowered;
	s6 =	simm.s32 $_tile_overlayer_lowered  }
0x9b: {  	s22 =	simm.s32 $0x1BFF;
	s21 =	sshll.u32 s6, $0x1;
	s3 =	sadd.s32 s4, s19  }
0x9c: {  	s7 =	simm.s32 $0x0;
	s20 =	sshll.u32 s5, $0x1;
	s5 =	sadd.s32 s21, s3  }
0x9d: {  	[timem:s7], [sflag:s22] =	dma.local [hbm:s5], s20  }
0x9e: {  	_ =	swait.ge [sflag:s22], s20  }
0x9f: {  	s4 =	ssub.s32 $0x0, s20;
	[sflag:s22] =	ssyncset.done $0x0  }
0xa0: {  	[sflag:s22] =	ssyncadd.s32 s4;
	_ =	sdelay $0x1  }
0xa1: {  	s23 =	simm.s32 $0x1B8B  }
0xa2: {  	_ =	swait.ge [sflag:s23], $0x1  }
0xa3: {  	[sflag:s23] =	ssyncset.done $0x0  }
0xa4: {  	s25 =	simm.s32 $0x1B8E;
	s24 =	sld [smem:$0x3FFE];
	[sflag:s23] =	ssyncadd.s32 $0xFFFFFFFF  }
0xa5: {  	s26 =	simm.s32 $execute0_lowered;
	[smem:$0x3FD2] =	sst s25  }
0xa6: {  	s5 =	sshll.u32 s26, $0x1;
	_ =	strace $0x80000049;
	[dreg:$0x1] =	wrdreg $0xFFFFFFFF  }
0xa7: {  	s28 =	simm.s32 $_size_execute0_lowered;
	s3 =	sadd.s32 s3, s5;
	[dreg:$0x0] =	wrdreg $0x0  }
0xa8: {  	s5 =	sshll.u32 s28, $0x1;
	[dreg:$0x2] =	wrdreg s3  }
0xa9: {  	[dreg:$0x3] =	wrdreg s5  }
0xaa: {  	[dreg:$0x4] =	wrdreg $0xC0  }
0xab: {  	_ =	task [dreg:s7], $0x5FFFF  }
0xac: {  	[dreg:$0x1] =	wrdreg $0xFFFFFFFF  }
0xad: {  	[dreg:$0x0] =	wrdreg $0x60  }
0xae: {  	[dreg:$0x2] =	wrdreg s24  }
0xaf: {  	[dreg:$0x3] =	wrdreg s2  }
0xb0: {  	[dreg:$0x4] =	wrdreg $0x9  }
0xb1: {  	_ =	task.clear_ibuf [dreg:s7], $0x5FFFF;
	_ =	strace $0x90000049  }
0xb2: {  	s29 =	simm.s32 $0x9;
	_ =	strace $0x8000004B  }
0xb3: {  	_ =	swait.ge [sflag:s29], $0x1  }
0xb4: {  	[sflag:s29] =	ssyncadd.s32 $0xFFFFFFFF  }
0xb5: {  	_ =	strace $0x9000004B  }
0xb6: {  	_ =	sfence  }
0xb7: {  	s30 =	sld [smem:$0x0];
	_ =	sdelay $0x2  }
0xb8: {  	s31 =	sshll.u32 s1, $0xD;
	s1 =	sshrl.u32 s1, $0x2  }
0xb9: {  	s3 =	sand.u32 $0x4000, s31;
	s1 =	sadd.s32 s1, s30  }
0xba: {  	s0 =	sor.u32 s3, s0;
	s1 =	sshll.u32 s1, $0x11  }
0xbb: {  	s0 =	sor.u32 s1, s0  }
0xbc: {  	s0 =	sadd.s32 $0x8F2B, s0  }
0xbd: {  	[sflag:s0] =	ssyncadd.remote.s32 $0x1  }
0xbe: {  	_ =	sfence.sel $0xFFFF  }
0xbf: {  	[dreg:$0x0] =	wrdreg $0xFFFFFFFF;
	(pc) =	sbr.abs _section_cstart, $3  }
0xc0: {  	[dreg:$0x1] =	wrdreg $0xFFFFFFFF  }
0xc1: {  	_ =	task.clear_ibuf [dreg:s7], $0x2FFFF;
	_ =	strace $0x9FFFFFFF  }
0xc2: {  	(tm) =	ssettm $0x7FFFFFFF  }
0xc3: {  	_ =	shalt  }
tec
execute0_lowered:
.L_overlay_start_1:
0x0: {  	(tag) =	ssettag $0x1  }
0x1: {  	s0 =	rddreg [dreg:$0x0]  }
0x2: {  	s5 =	rddreg [dreg:$0x1];
	s3 =	srdreg.scid  }
0x3: {  	s2 =	simm.s32 $0x0;
	s1 =	stileid.u32;
	s26 =	simm.s32 $0x880  }
0x4: {  	s10 =	simm.s32 $0x1880;
	s11 =	simm.s32 $0x2080;
	s12 =	simm.s32 $0x2880  }
0x5: {  	s13 =	simm.s32 $0x3080;
	s14 =	simm.s32 $0x3880;
	s15 =	simm.s32 $0x4080  }
0x6: {  	s16 =	simm.s32 $0x4880;
	s17 =	simm.s32 $0x5080;
	s18 =	simm.s32 $0x5880  }
0x7: {  	s19 =	simm.s32 $0x6080;
	s20 =	simm.s32 $0x6880;
	s21 =	simm.s32 $0x7080  }
0x8: {  	s22 =	simm.s32 $0x7880;
	s28 =	simm.s32 $0xA080;
	s29 =	simm.s32 $0xA880  }
0x9: {  	s30 =	simm.s32 $0xB080;
	s31 =	simm.s32 $0xB880;
	s3 =	sand.u32 $0x1, s3  }
0xa: {  	[smem:$0x7FF] =	sst s2;
	s4 =	sshll.u32 s1, $0x4;
	s6 =	sshll.u32 s3, $0x3  }
0xb: {  	_ =	strace $0x8000004A;
	s23 =	ssub.s32 $0x2, s3;
	s3 =	sadd.s32 $0x1000, s0  }
0xc: {  	[dreg:$0x5] =	wrdreg s26;
	s26 =	simm.s32 $0x9880;
	s4 =	sor.u32 s6, s4  }
0xd: {  	s8 =	sshrl.u32 s23, $0x1;
	s7 =	sadd.s32 s4, s0;
	s9 =	smul.u32 $0x300, s4  }
0xe: {  	s6 =	ssub.s32 s23, s8;
	s4 =	sadd.s32 $0x1100, s0;
	s8 =	simm.s32 $0x80  }
0xf: {  	s23 =	simm.s32 $0x8080;
	s24 =	sadd.s32 $0x49400, s7;
	s6 =	smax.u32 s6, $0x1  }
0x10: {  	v2 =	vlaneseq.u32;
	s7 =	simm.s32 $0x2;
	[dreg:$0x3] =	wrdreg s24;
	s25 =	sadd.s32 s5, s9  }
0x11: {  	vm0 =	vmmov $0xffff;
	v1 =	vshrl.u32 v2, $0x3;
	s5 =	sadd.s32 $0x1200, s0;
	s9 =	simm.s32 $0x1080;
	s24 =	simm.s32 $0x8880  }
0x12: {  	v0 =	vand.u32 $0x7, v2;
	v2 =	vor.u32 $0x8, v2;
	v1 =	vmul.u32 $0x8, v1;
	s0 =	simm.s32 $0x1;
	[dreg:$0x4] =	wrdreg s25;
	s25 =	simm.s32 $0x9080  }
.LBB2_1:
0x13: {  	s1 =	rddreg [dreg:$0x3]  }
0x14: {  	[tilespmem:s2], [sflag:$0x2] =	stream.linear.gather [hbm4b:s1+s2], $0x40, $0x38;
	[tilespmem:$0xC080] =	vst v63  }
0x15: {  	_ =	swait.ge [sflag:s7], $0x40  }
0x16: {  	[sflag:s7] =	ssyncset.done $0x0  }
0x17: {  	[sflag:s7] =	ssyncadd.s32 $0xFFFFFFC0  }
0x18: {  	v3 =	vld [tilespmem:$0x0];
	_ =	sdelay $0x4  }
0x19: {  	v4 =	vshrl.u32 v3, $0x3  }
0x1a: {  	v4 =	vmul.u32 $0x30, v4  }
0x1b: {  	v3 =	vand.u32 $0x7, v3  }
0x1c: {  	v3 =	vor.u32 v3, v4  }
0x1d: {  	v4 =	vperm.xlane v3, v0;
	_ =	sdelay $0x1  }
0x1e: {  	v4 =	vadd.s32 v1, v4;
	_ =	sdelay $0x3  }
0x1f: {  	v3 =	vperm.xlane v3, v2  }
0x20: {  	[tilespmem:s8], [sflag:$0x1] =	stream.indirect_vreg.gather [hbm4b:s3+s2], $0x80, v4, vm0, $0xb8;
	[tilespmem:$0xC080] =	vst v63  }
0x21: {  	s1 =	rddreg [dreg:$0x5];
	v3 =	vadd.s32 v1, v3  }
0x22: {  	[tilespmem:s1], [sflag:$0x1] =	stream.indirect_vreg.gather [hbm4b:s4+s2], $0x80, v4, vm0, $0xb8;
	[tilespmem:$0xC080] =	vst v63  }
0x23: {  	_ = 	snop  }
0x24: {  	[tilespmem:s9], [sflag:$0x1] =	stream.indirect_vreg.gather [hbm4b:s5+s2], $0x80, v4, vm0, $0xb8;
	[tilespmem:$0xC080] =	vst v63  }
0x25: {  	_ = 	snop  }
0x26: {  	[tilespmem:s10], [sflag:$0x1] =	stream.indirect_vreg.gather [hbm4b:s3+s2], $0x80, v3, vm0, $0xb8;
	[tilespmem:$0xC080] =	vst v63  }
0x27: {  	_ = 	snop  }
0x28: {  	[tilespmem:s11], [sflag:$0x1] =	stream.indirect_vreg.gather [hbm4b:s4+s2], $0x80, v3, vm0, $0xb8;
	[tilespmem:$0xC080] =	vst v63  }
0x29: {  	_ = 	snop  }
0x2a: {  	[tilespmem:s12], [sflag:$0x1] =	stream.indirect_vreg.gather [hbm4b:s5+s2], $0x80, v3, vm0, $0xb8;
	[tilespmem:$0xC080] =	vst v63  }
0x2b: {  	v3 =	vld [tilespmem:$0x10];
	_ =	sdelay $0x4  }
0x2c: {  	v61 =	vshrl.u32 v3, $0x3  }
0x2d: {  	v4 =	vmul.u32 $0x30, v61  }
0x2e: {  	v3 =	vand.u32 $0x7, v3  }
0x2f: {  	v3 =	vor.u32 v3, v4  }
0x30: {  	v4 =	vperm.xlane v3, v0;
	_ =	sdelay $0x1  }
0x31: {  	v4 =	vadd.s32 v1, v4;
	_ =	sdelay $0x3  }
0x32: {  	v3 =	vperm.xlane v3, v2  }
0x33: {  	[tilespmem:s13], [sflag:$0x1] =	stream.indirect_vreg.gather [hbm4b:s3+s2], $0x80, v4, vm0, $0xb8;
	[tilespmem:$0xC080] =	vst v63  }
0x34: {  	v3 =	vadd.s32 v1, v3  }
0x35: {  	[tilespmem:s14], [sflag:$0x1] =	stream.indirect_vreg.gather [hbm4b:s4+s2], $0x80, v4, vm0, $0xb8;
	[tilespmem:$0xC080] =	vst v63  }
0x36: {  	_ = 	snop  }
0x37: {  	[tilespmem:s15], [sflag:$0x1] =	stream.indirect_vreg.gather [hbm4b:s5+s2], $0x80, v4, vm0, $0xb8;
	[tilespmem:$0xC080] =	vst v63  }
0x38: {  	_ = 	snop  }
0x39: {  	[tilespmem:s16], [sflag:$0x1] =	stream.indirect_vreg.gather [hbm4b:s3+s2], $0x80, v3, vm0, $0xb8;
	[tilespmem:$0xC080] =	vst v63  }
0x3a: {  	_ = 	snop  }
0x3b: {  	[tilespmem:s17], [sflag:$0x1] =	stream.indirect_vreg.gather [hbm4b:s4+s2], $0x80, v3, vm0, $0xb8;
	[tilespmem:$0xC080] =	vst v63  }
0x3c: {  	_ = 	snop  }
0x3d: {  	[tilespmem:s18], [sflag:$0x1] =	stream.indirect_vreg.gather [hbm4b:s5+s2], $0x80, v3, vm0, $0xb8;
	[tilespmem:$0xC080] =	vst v63  }
0x3e: {  	v3 =	vld [tilespmem:$0x20];
	_ =	sdelay $0x4  }
0x3f: {  	v62 =	vshrl.u32 v3, $0x3  }
0x40: {  	v4 =	vmul.u32 $0x30, v62  }
0x41: {  	v3 =	vand.u32 $0x7, v3  }
0x42: {  	v3 =	vor.u32 v3, v4  }
0x43: {  	v4 =	vperm.xlane v3, v0;
	_ =	sdelay $0x1  }
0x44: {  	v4 =	vadd.s32 v1, v4;
	_ =	sdelay $0x3  }
0x45: {  	v3 =	vperm.xlane v3, v2  }
0x46: {  	[tilespmem:s19], [sflag:$0x1] =	stream.indirect_vreg.gather [hbm4b:s3+s2], $0x80, v4, vm0, $0xb8;
	[tilespmem:$0xC080] =	vst v63  }
0x47: {  	v3 =	vadd.s32 v1, v3  }
0x48: {  	[tilespmem:s20], [sflag:$0x1] =	stream.indirect_vreg.gather [hbm4b:s4+s2], $0x80, v4, vm0, $0xb8;
	[tilespmem:$0xC080] =	vst v63  }
0x49: {  	_ = 	snop  }
0x4a: {  	[tilespmem:s21], [sflag:$0x1] =	stream.indirect_vreg.gather [hbm4b:s5+s2], $0x80, v4, vm0, $0xb8;
	[tilespmem:$0xC080] =	vst v63  }
0x4b: {  	_ = 	snop  }
0x4c: {  	[tilespmem:s22], [sflag:$0x1] =	stream.indirect_vreg.gather [hbm4b:s3+s2], $0x80, v3, vm0, $0xb8;
	[tilespmem:$0xC080] =	vst v63  }
0x4d: {  	_ = 	snop  }
0x4e: {  	[tilespmem:s23], [sflag:$0x1] =	stream.indirect_vreg.gather [hbm4b:s4+s2], $0x80, v3, vm0, $0xb8;
	[tilespmem:$0xC080] =	vst v63  }
0x4f: {  	_ = 	snop  }
0x50: {  	[tilespmem:s24], [sflag:$0x1] =	stream.indirect_vreg.gather [hbm4b:s5+s2], $0x80, v3, vm0, $0xb8;
	[tilespmem:$0xC080] =	vst v63  }
0x51: {  	v3 =	vld [tilespmem:$0x30];
	_ =	sdelay $0x4  }
0x52: {  	v63 =	vshrl.u32 v3, $0x3  }
0x53: {  	v4 =	vmul.u32 $0x30, v63  }
0x54: {  	v3 =	vand.u32 $0x7, v3  }
0x55: {  	v3 =	vor.u32 v3, v4  }
0x56: {  	v4 =	vperm.xlane v3, v0;
	_ =	sdelay $0x1  }
0x57: {  	v4 =	vadd.s32 v1, v4;
	_ =	sdelay $0x3  }
0x58: {  	v3 =	vperm.xlane v3, v2  }
0x59: {  	[tilespmem:s25], [sflag:$0x1] =	stream.indirect_vreg.gather [hbm4b:s3+s2], $0x80, v4, vm0, $0xb8;
	[tilespmem:$0xC080] =	vst v63  }
0x5a: {  	v3 =	vadd.s32 v1, v3  }
0x5b: {  	[tilespmem:s26], [sflag:$0x1] =	stream.indirect_vreg.gather [hbm4b:s4+s2], $0x80, v4, vm0, $0xb8;
	[tilespmem:$0xC080] =	vst v63  }
0x5c: {  	_ = 	snop  }
0x5d: {  	[tilespmem:s28], [sflag:$0x1] =	stream.indirect_vreg.gather [hbm4b:s5+s2], $0x80, v4, vm0, $0xb8;
	[tilespmem:$0xC080] =	vst v63  }
0x5e: {  	_ = 	snop  }
0x5f: {  	[tilespmem:s29], [sflag:$0x1] =	stream.indirect_vreg.gather [hbm4b:s3+s2], $0x80, v3, vm0, $0xb8;
	[tilespmem:$0xC080] =	vst v63  }
0x60: {  	_ = 	snop  }
0x61: {  	[tilespmem:s30], [sflag:$0x1] =	stream.indirect_vreg.gather [hbm4b:s4+s2], $0x80, v3, vm0, $0xb8;
	[tilespmem:$0xC080] =	vst v63  }
0x62: {  	_ = 	snop  }
0x63: {  	[tilespmem:s31], [sflag:$0x1] =	stream.indirect_vreg.gather [hbm4b:s5+s2], $0x80, v3, vm0, $0xb8;
	[tilespmem:$0xC080] =	vst v63  }
0x64: {  	_ =	swait.ge [sflag:s0], $0xC000  }
0x65: {  	p0 =	sne.s32 s6, $0x1;
	[sflag:s0] =	ssyncset.done $0x0  }
.Ltmp0:
0x66: {  	s1 =	rddreg [dreg:$0x4];
	[sflag:s0] =	ssyncadd.s32 $0xFFFF4000;
	(pc) =	sbr.rel @p0 .LBB2_1-.Ltmp0, $4  }
0x67: {  	[hbm4b:s1+s2] =	stream.linear.scatter [tilespmem:s8], [sflag:$0x2], $0xC000, $0x38;
	[tilespmem:$0xC080] =	vst v63  }
0x68: {  	_ =	swait.ge [sflag:s7], $0xC000  }
0x69: {  	[sflag:s7] =	ssyncset.done $0x0  }
0x6a: {  	s6 =	sadd.s32 $0xFFFFFFFF, s6;
	[sflag:s7] =	ssyncadd.s32 $0xFFFF4000  }
0x6b: {  	_ =	sfence.sel $0x180000  }
0x6c: {  	[bflag:$0x0] =	sbarrier.arrive $0xFFFF  }
0x6d: {  	_ =	strace $0x9000004A  }
0x6e: {  	s0 =	stileid.u32;
	[bflag:$0x2] =	sbarrier.arrive $0xFFFF  }
0x6f: {  	p0 =	sne.s32 s0, $0x0;
	s0 =	rddreg [dreg:$0x2]  }
0x70: {  	s0 =	sadd.s32 @!p0 $0x100000, s0  }
0x71: {  	[sflag:s0] =	ssyncadd.tile.s32 @!p0 $0x1;
	_ =	shalt  }
.Lfunc_end2:
_tile_overlayer_lowered:
.L_overlay_start_2:
0x72: {  	(tag) =	ssettag $0x2  }
0x73: {  	s0 =	rddreg [dreg:$0x0];
	s2 =	stileid.u32  }
0x74: {  	s1 =	rddreg [dreg:$0x1];
	p0 =	sne.s32 s2, $0x0  }
0x75: {  	s3 =	rddreg [dreg:$0x2];
	[bflag:$0x3] =	sbarrier.arrive $0xFFFF;
	s2 =	simm.s32 @!p0 $0x1C02  }
0x76: {  	[timem:s3], [sflag:s2] =	dma.local @!p0 [hbm:s0], s1  }
0x77: {  	s0 =	simm.s32 @!p0 $0x2  }
0x78: {  	_ =	swait.ge @!p0 [sflag:s0], s1  }
0x79: {  	s1 =	ssub.s32 @!p0 $0x0, s1;
	[sflag:s0] =	ssyncset.done @!p0 $0x0  }
0x7a: {  	[sflag:s0] =	ssyncadd.s32 @!p0 s1  }
0x7b: {  	[bflag:$0x3] =	sbarrier.arrive $0xFFFF  }
0x7c: {  	_ =	shalt  }

</sc_bundles>
